<compile_context>
chip_gen: v7x
topology: tpu7x:2x2x1
jax: 0.10.2.dev20260603
libtpu: 0.0.44.dev20260713+nightly
codegen_flags: <defaults>
</compile_context>

<pallas_src>
import functools

import jax
import jax.numpy as jnp
from jax import lax
from jax.experimental import pallas as pl
from jax.experimental.pallas import tpu as pltpu
from jax.experimental.pallas import tpu_sc as plsc

_EPS = 1e-6
_D = 96
_N = 1024
_P = 16384
_B = 16
_NW = 32
_CHUNK = (_B * _P) // _NW
_ROWS = _CHUNK // 128
_INV = 1.0 / (_P * _B)


_CT = _N // 128


def _tc_body(x_ref, gt_ref, m_ref):
    eps = _EPS * _INV
    xi = x_ref[0] * _INV
    xsq = xi * xi
    q_row = jnp.sum(xsq, axis=1, keepdims=True)
    s_row = jnp.sum(xi, axis=1, keepdims=True)
    qr = q_row + (2.0 * eps) * s_row + (_D * eps * eps)
    qc = q_row - (2.0 * eps) * s_row
    one_col = jnp.ones((_N, 1), jnp.float32)
    u = jnp.concatenate([-2.0 * xi, qr, one_col], axis=1)
    v = jnp.concatenate([xi, one_col, qc], axis=1)
    d2 = lax.dot_general(u, v, (((1,), (1,)), ((), ())),
                         preferred_element_type=jnp.float32)
    d2c = jnp.maximum(d2, 1e-36)
    pd = d2c * lax.rsqrt(d2c)
    ga = gt_ref[0]
    a0 = (ga == 0.0).astype(jnp.float32)
    a1 = (ga == 1.0).astype(jnp.float32)
    a2 = (ga == 2.0).astype(jnp.float32)
    p_mat = jnp.concatenate([a0, a1, a2], axis=0)
    q_mat = jnp.concatenate([
        (2.0 * _INV) * a1 + (15.0 * _INV) * a2,
        (2.0 * _INV) * a0 + (17.0 * _INV) * a2,
        (15.0 * _INV) * a0 + (17.0 * _INV) * a1,
    ], axis=0)
    gtd = lax.dot_general(p_mat, q_mat, (((0,), (0,)), ((), ())),
                          preferred_element_type=jnp.float32)
    m_val = jnp.abs(gtd - pd)
    for tjj in range(_CT):
        m_ref[0, tjj] = m_val[:, tjj * 128:(tjj + 1) * 128]


_BH = _B // 2
_CHUNK2 = (_BH * _P) // _NW
_ROWS2 = _CHUNK2 // 128


def _make_tc_call(h):
    return pl.pallas_call(
        _tc_body,
        grid=(_BH,),
        in_specs=[
            pl.BlockSpec((1, _N, _D), lambda i: (i + h * _BH, 0, 0)),
            pl.BlockSpec((1, 1, _N), lambda i: (i + h * _BH, 0, 0)),
        ],
        out_specs=pl.BlockSpec((1, _CT, _N, 128), lambda i: (i, 0, 0, 0)),
        out_shape=jax.ShapeDtypeStruct((_BH, _CT, _N, 128), jnp.float32),
    )


_tc_calls = [_make_tc_call(0), _make_tc_call(1)]


@functools.cache
def _sc_gather_fn(h):
    mesh = plsc.VectorSubcoreMesh(core_axis_name="c", subcore_axis_name="s")

    @functools.partial(
        pl.kernel,
        mesh=mesh,
        out_type=jax.ShapeDtypeStruct((_NW, 16), jnp.float32),
        scratch_types=[
            pltpu.VMEM((_CHUNK2,), jnp.int32),
            pltpu.VMEM((_CHUNK2,), jnp.int32),
            pltpu.VMEM((_CHUNK2,), jnp.float32),
            pltpu.VMEM((_ROWS2, 128), jnp.int32),
            pltpu.VMEM((_ROWS2, 128), jnp.float32),
            pltpu.VMEM((16,), jnp.float32),
            pltpu.SemaphoreType.DMA,
        ],
    )
    def _sc_gather(pp_hbm, w_hbm, m_hbm, out_hbm,
                   a_v, c_v, w_v, idx_v, g_v, acc_v, sem):
        wid = lax.axis_index("s") * 2 + lax.axis_index("c")
        samp = wid // 4
        off = (wid % 4) * _CHUNK2
        row = h * _BH + samp
        pltpu.sync_copy(pp_hbm.at[row, 0, pl.ds(off, _CHUNK2)], a_v)
        pltpu.sync_copy(pp_hbm.at[row, 1, pl.ds(off, _CHUNK2)], c_v)
        pltpu.sync_copy(w_hbm.at[row, pl.ds(off, _CHUNK2)], w_v)
        samp_base = samp * (_N * _N)

        def fire(r, carry):
            for k in range(8):
                sl = pl.ds(k * 16, 16)
                av = a_v[pl.ds(r * 128 + k * 16, 16)]
                cv = c_v[pl.ds(r * 128 + k * 16, 16)]
                idx_v[r, sl] = (samp_base
                                + ((cv >> 7) << 17) + (av << 7)
                                + (cv & 127))
            pltpu.async_copy(m_hbm.at[idx_v.at[r]], g_v.at[r], sem)
            return carry

        lax.fori_loop(0, _ROWS2, fire, 0)

        def drain(r, acc):
            pltpu.make_async_copy(m_hbm.at[idx_v.at[r]], g_v.at[r], sem).wait()
            for k in range(8):
                acc = (acc + g_v[r, pl.ds(k * 16, 16)]
                       * w_v[pl.ds(r * 128 + k * 16, 16)])
            return acc

        acc = lax.fori_loop(0, _ROWS2, drain, jnp.zeros((16,), jnp.float32))
        acc_v[...] = acc
        pltpu.sync_copy(acc_v, out_hbm.at[wid])

    return _sc_gather


def kernel(x, patch_pair, patch_gt, patch_pair_weight):
    pp = patch_pair.astype(jnp.int32)
    gt1r = patch_gt.astype(jnp.float32).reshape(_B, 1, _N)
    total = jnp.float32(0)
    for h in (0, 1):
        m = _tc_calls[h](x, gt1r)
        partials = _sc_gather_fn(h)(pp, patch_pair_weight,
                                    m.reshape(_BH * _N * _N))
        total = total + jnp.sum(partials)
    return total

# --- scband reference (transcript-rebuilt; emitter-appended) ---
"""Pipeline reference for scband-pploss-5514738008915 (READ-ONLY COPY).

The authoritative reference and input builder live on the scoring server;
editing this copy changes nothing except your own understanding.
"""

import jax, jax.numpy as jnp
import numpy as np

DIST_BG_FAKE = 15.0
DIST_BG_REAL = 2.0
DIST_FAKE_REAL = 17.0
EPS = 1e-6  # torch.nn.PairwiseDistance default eps


def setup_inputs(seed: int = 0) -> dict:
    key = jax.random.key(seed)
    k1, k2, k3, k4 = jax.random.split(key, 4)
    x = jax.random.normal(k1, (16, 1024, 96), dtype=jnp.float32)
    patch_pair = jax.random.randint(k2, (16, 2, 16384), 0, 1024, dtype=jnp.int64)
    patch_gt = jax.random.randint(k3, (16, 1024), 0, 3, dtype=jnp.int64)
    patch_pair_weight = jax.random.uniform(k4, (16, 16384), dtype=jnp.float32)
    return {
        "x": x,
        "patch_pair": patch_pair,
        "patch_gt": patch_gt,
        "patch_pair_weight": patch_pair_weight,
    }


def reference(x, patch_pair, patch_gt, patch_pair_weight):
    b = x.shape[0]

    def per_sample(xi, pp, gt, w):
        a = pp[0]
        c = pp[1]
        # nn.PairwiseDistance(p=2): ||x1 - x2 + eps||_2 along last dim
        diff = jnp.take(xi, a, axis=0) - jnp.take(xi, c, axis=0) + EPS
        pair_dist = jnp.sqrt(jnp.sum(diff * diff, axis=-1))
        ga = jnp.take(gt, a, axis=0)
        gc = jnp.take(gt, c, axis=0)
        gt_bg_fake = (jnp.abs(ga - gc) == 2).astype(jnp.float32) * DIST_BG_FAKE
        gt_bg_real = (jnp.abs(ga + gc) == 1).astype(jnp.float32) * DIST_BG_REAL
        gt_fake_real = (jnp.abs(ga + gc) == 3).astype(jnp.float32) * DIST_FAKE_REAL
        gt_dist = gt_bg_fake + gt_bg_real + gt_fake_real
        return jnp.mean(w * jnp.abs(gt_dist - pair_dist))
    per_losses = jax.vmap(per_sample)(x, patch_pair, patch_gt, patch_pair_weight)
    loss = jnp.sum(per_losses) / float(b)
    return loss

if __name__ == "__main__":
    import jax
    _d = setup_inputs()
    print(jax.jit(kernel)(*tuple(_d.values())))

</pallas_src>

<mosaic_0001>
#map = affine_map<(d0, d1) -> (0, 0, 0)>
#map1 = affine_map<(d0, d1) -> (0, 0)>
#map2 = affine_map<(d0, d1) -> (0)>
module attributes {stable_mosaic.version = 14 : i64} {
  func.func @_sc_gather(%arg0: i32, %arg1: i32, %arg2: memref<16x2x16384xi32, #tpu.memory_space<hbm>>, %arg3: memref<16x16384xf32, #tpu.memory_space<hbm>>, %arg4: memref<8388608xf32, #tpu.memory_space<hbm>>, %arg5: memref<32x16xf32, #tpu.memory_space<hbm>>, %arg6: memref<4096xi32, #tpu.memory_space<vmem>>, %arg7: memref<4096xi32, #tpu.memory_space<vmem>>, %arg8: memref<4096xf32, #tpu.memory_space<vmem>>, %arg9: memref<32x128xi32, #tpu.memory_space<vmem>>, %arg10: memref<32x128xf32, #tpu.memory_space<vmem>>, %arg11: memref<16xf32, #tpu.memory_space<vmem>>, %arg12: memref<!tpu.dma_semaphore, #tpu.memory_space<semaphore_mem>>) attributes {dimension_semantics = [#tpu.dimension_semantics<core_parallel>, #tpu.dimension_semantics<subcore_parallel>], iteration_bounds = array<i64: 2, 16>, scalar_prefetch = 0 : i64, scratch_operands = 7 : i64, tpu.core_type = #tpu.core_type<sc_vector_subcore>, window_params = [{transform_indices = #map}, {transform_indices = #map1}, {transform_indices = #map2}, {transform_indices = #map1}]} {
    %mul3A = arith.constant 2 : i32
    %mul3A_0 = arith.muli %arg1, %mul3A : i32
    %add3A = arith.addi %mul3A_0, %arg0 : i32
    %jit3A = arith.constant 4 : i32
    %div3A = arith.divsi %add3A, %jit3A : i32
    %sign3A = arith.constant 0 : i32
    %sign3A_1 = arith.cmpi sgt, %add3A, %sign3A : i32
    %sign3A_2 = arith.extui %sign3A_1 : i1 to i32
    %sign3A_3 = arith.constant 0 : i32
    %sign3A_4 = arith.cmpi slt, %add3A, %sign3A_3 : i32
    %sign3A_5 = arith.extui %sign3A_4 : i1 to i32
    %sign3A_6 = arith.subi %sign3A_2, %sign3A_5 : i32
    %sign3A_7 = arith.constant 0 : i32
    %sign3A_8 = arith.cmpi sgt, %jit3A, %sign3A_7 : i32
    %sign3A_9 = arith.extui %sign3A_8 : i1 to i32
    %sign3A_10 = arith.constant 0 : i32
    %sign3A_11 = arith.cmpi slt, %jit3A, %sign3A_10 : i32
    %sign3A_12 = arith.extui %sign3A_11 : i1 to i32
    %sign3A_13 = arith.subi %sign3A_9, %sign3A_12 : i32
    %ne3A = arith.cmpi ne, %sign3A_6, %sign3A_13 : i32
    %rem3A = arith.remsi %add3A, %jit3A : i32
    %ne3A_14 = arith.constant 0 : i32
    %ne3A_15 = arith.cmpi ne, %rem3A, %ne3A_14 : i32
    %and3A = arith.andi %ne3A, %ne3A_15 : i1
    %sub3A = arith.constant 1 : i32
    %sub3A_16 = arith.subi %div3A, %sub3A : i32
    %select_n3A = arith.select %and3A, %sub3A_16, %div3A : i32
    %jit3A_17 = arith.constant 4 : i32
    %eq3A = arith.constant 0 : i32
    %eq3A_18 = arith.cmpi eq, %jit3A_17, %eq3A : i32
    %jit3A_19 = arith.constant 1 : i32
    %select_n3A_20 = arith.select %eq3A_18, %jit3A_19, %jit3A_17 : i32
    %rem3A_21 = arith.remsi %add3A, %select_n3A_20 : i32
    %ne3A_22 = arith.constant 0 : i32
    %ne3A_23 = arith.cmpi ne, %rem3A_21, %ne3A_22 : i32
    %lt3A = arith.constant 0 : i32
    %lt3A_24 = arith.cmpi slt, %rem3A_21, %lt3A : i32
    %lt3A_25 = arith.constant 0 : i32
    %lt3A_26 = arith.cmpi slt, %select_n3A_20, %lt3A_25 : i32
    %ne3A_27 = arith.xori %lt3A_24, %lt3A_26 : i1
    %and3A_28 = arith.andi %ne3A_27, %ne3A_23 : i1
    %add3A_29 = arith.addi %rem3A_21, %select_n3A_20 : i32
    %select_n3A_30 = arith.select %and3A_28, %add3A_29, %rem3A_21 : i32
    %mul3A_31 = arith.constant 4096 : i32
    %mul3A_32 = arith.muli %select_n3A_30, %mul3A_31 : i32
    %add3A_33 = arith.constant 0 : i32
    %add3A_34 = arith.addi %add3A_33, %select_n3A : i32
    %run_scoped3A = arith.constant 0 : i32
    "tpu.region"() ({
      %run_scoped3A_53 = tpu.sem_alloc : memref<!tpu.dma_semaphore, #tpu.memory_space<semaphore_mem>>
      %dma_start3A = tpu.memref_slice %arg2[%add3A_34, %run_scoped3A, %mul3A_32] : memref<16x2x16384xi32, #tpu.memory_space<hbm>> -> memref<1x1x4096xi32, #tpu.memory_space<hbm>>
      %dma_start3A_54 = tpu.memref_squeeze %dma_start3A : memref<1x1x4096xi32, #tpu.memory_space<hbm>> -> memref<4096xi32, #tpu.memory_space<hbm>>
      %dma_start3A_55 = tpu.memref_slice %arg2[%add3A_34, %run_scoped3A, %mul3A_32] : memref<16x2x16384xi32, #tpu.memory_space<hbm>> -> memref<1x1x4096xi32, #tpu.memory_space<hbm>>
      %dma_start3A_56 = tpu.memref_squeeze %dma_start3A_55 : memref<1x1x4096xi32, #tpu.memory_space<hbm>> -> memref<4096xi32, #tpu.memory_space<hbm>>
      tpu.enqueue_dma source(%dma_start3A_56 : memref<4096xi32, #tpu.memory_space<hbm>>) target(%arg6 : memref<4096xi32, #tpu.memory_space<vmem>>) target_semaphore(%run_scoped3A_53 : memref<!tpu.dma_semaphore, #tpu.memory_space<semaphore_mem>>)
      %dma_wait3A = tpu.memref_slice %arg2[%add3A_34, %run_scoped3A, %mul3A_32] : memref<16x2x16384xi32, #tpu.memory_space<hbm>> -> memref<1x1x4096xi32, #tpu.memory_space<hbm>>
      %dma_wait3A_57 = tpu.memref_squeeze %dma_wait3A : memref<1x1x4096xi32, #tpu.memory_space<hbm>> -> memref<4096xi32, #tpu.memory_space<hbm>>
      %dma_wait3A_58 = tpu.memref_slice %arg2[%add3A_34, %run_scoped3A, %mul3A_32] : memref<16x2x16384xi32, #tpu.memory_space<hbm>> -> memref<1x1x4096xi32, #tpu.memory_space<hbm>>
      %dma_wait3A_59 = tpu.memref_squeeze %dma_wait3A_58 : memref<1x1x4096xi32, #tpu.memory_space<hbm>> -> memref<4096xi32, #tpu.memory_space<hbm>>
      tpu.wait_dma2 semaphore(%run_scoped3A_53 : memref<!tpu.dma_semaphore, #tpu.memory_space<semaphore_mem>>) src(%dma_wait3A_59 : memref<4096xi32, #tpu.memory_space<hbm>>) dst(%arg6 : memref<4096xi32, #tpu.memory_space<vmem>>)
      tpu.yield
    }) : () -> ()
    %run_scoped3A_35 = arith.constant 1 : i32
    "tpu.region"() ({
      %run_scoped3A_53 = tpu.sem_alloc : memref<!tpu.dma_semaphore, #tpu.memory_space<semaphore_mem>>
      %dma_start3A = tpu.memref_slice %arg2[%add3A_34, %run_scoped3A_35, %mul3A_32] : memref<16x2x16384xi32, #tpu.memory_space<hbm>> -> memref<1x1x4096xi32, #tpu.memory_space<hbm>>
      %dma_start3A_54 = tpu.memref_squeeze %dma_start3A : memref<1x1x4096xi32, #tpu.memory_space<hbm>> -> memref<4096xi32, #tpu.memory_space<hbm>>
      %dma_start3A_55 = tpu.memref_slice %arg2[%add3A_34, %run_scoped3A_35, %mul3A_32] : memref<16x2x16384xi32, #tpu.memory_space<hbm>> -> memref<1x1x4096xi32, #tpu.memory_space<hbm>>
      %dma_start3A_56 = tpu.memref_squeeze %dma_start3A_55 : memref<1x1x4096xi32, #tpu.memory_space<hbm>> -> memref<4096xi32, #tpu.memory_space<hbm>>
      tpu.enqueue_dma source(%dma_start3A_56 : memref<4096xi32, #tpu.memory_space<hbm>>) target(%arg7 : memref<4096xi32, #tpu.memory_space<vmem>>) target_semaphore(%run_scoped3A_53 : memref<!tpu.dma_semaphore, #tpu.memory_space<semaphore_mem>>)
      %dma_wait3A = tpu.memref_slice %arg2[%add3A_34, %run_scoped3A_35, %mul3A_32] : memref<16x2x16384xi32, #tpu.memory_space<hbm>> -> memref<1x1x4096xi32, #tpu.memory_space<hbm>>
      %dma_wait3A_57 = tpu.memref_squeeze %dma_wait3A : memref<1x1x4096xi32, #tpu.memory_space<hbm>> -> memref<4096xi32, #tpu.memory_space<hbm>>
      %dma_wait3A_58 = tpu.memref_slice %arg2[%add3A_34, %run_scoped3A_35, %mul3A_32] : memref<16x2x16384xi32, #tpu.memory_space<hbm>> -> memref<1x1x4096xi32, #tpu.memory_space<hbm>>
      %dma_wait3A_59 = tpu.memref_squeeze %dma_wait3A_58 : memref<1x1x4096xi32, #tpu.memory_space<hbm>> -> memref<4096xi32, #tpu.memory_space<hbm>>
      tpu.wait_dma2 semaphore(%run_scoped3A_53 : memref<!tpu.dma_semaphore, #tpu.memory_space<semaphore_mem>>) src(%dma_wait3A_59 : memref<4096xi32, #tpu.memory_space<hbm>>) dst(%arg7 : memref<4096xi32, #tpu.memory_space<vmem>>)
      tpu.yield
    }) : () -> ()
    "tpu.region"() ({
      %run_scoped3A_53 = tpu.sem_alloc : memref<!tpu.dma_semaphore, #tpu.memory_space<semaphore_mem>>
      %dma_start3A = tpu.memref_slice %arg3[%add3A_34, %mul3A_32] : memref<16x16384xf32, #tpu.memory_space<hbm>> -> memref<1x4096xf32, #tpu.memory_space<hbm>>
      %dma_start3A_54 = tpu.memref_squeeze %dma_start3A : memref<1x4096xf32, #tpu.memory_space<hbm>> -> memref<4096xf32, #tpu.memory_space<hbm>>
      %dma_start3A_55 = tpu.memref_slice %arg3[%add3A_34, %mul3A_32] : memref<16x16384xf32, #tpu.memory_space<hbm>> -> memref<1x4096xf32, #tpu.memory_space<hbm>>
      %dma_start3A_56 = tpu.memref_squeeze %dma_start3A_55 : memref<1x4096xf32, #tpu.memory_space<hbm>> -> memref<4096xf32, #tpu.memory_space<hbm>>
      tpu.enqueue_dma source(%dma_start3A_56 : memref<4096xf32, #tpu.memory_space<hbm>>) target(%arg8 : memref<4096xf32, #tpu.memory_space<vmem>>) target_semaphore(%run_scoped3A_53 : memref<!tpu.dma_semaphore, #tpu.memory_space<semaphore_mem>>)
      %dma_wait3A = tpu.memref_slice %arg3[%add3A_34, %mul3A_32] : memref<16x16384xf32, #tpu.memory_space<hbm>> -> memref<1x4096xf32, #tpu.memory_space<hbm>>
      %dma_wait3A_57 = tpu.memref_squeeze %dma_wait3A : memref<1x4096xf32, #tpu.memory_space<hbm>> -> memref<4096xf32, #tpu.memory_space<hbm>>
      %dma_wait3A_58 = tpu.memref_slice %arg3[%add3A_34, %mul3A_32] : memref<16x16384xf32, #tpu.memory_space<hbm>> -> memref<1x4096xf32, #tpu.memory_space<hbm>>
      %dma_wait3A_59 = tpu.memref_squeeze %dma_wait3A_58 : memref<1x4096xf32, #tpu.memory_space<hbm>> -> memref<4096xf32, #tpu.memory_space<hbm>>
      tpu.wait_dma2 semaphore(%run_scoped3A_53 : memref<!tpu.dma_semaphore, #tpu.memory_space<semaphore_mem>>) src(%dma_wait3A_59 : memref<4096xf32, #tpu.memory_space<hbm>>) dst(%arg8 : memref<4096xf32, #tpu.memory_space<vmem>>)
      tpu.yield
    }) : () -> ()
    %mul3A_36 = arith.constant 1048576 : i32
    %mul3A_37 = arith.muli %select_n3A, %mul3A_36 : i32
    %scan3A = arith.constant 0 : i32
    %scan3A_38 = arith.constant 0 : i32
    %scan3A_39 = arith.constant 32 : i32
    %scan3A_40 = arith.addi %scan3A_38, %scan3A_39 : i32
    %scan3A_41 = arith.constant 1 : i32
    scf.for %scan3A_53 = %scan3A_38 to %scan3A_40 step %scan3A_41  : i32 {
      %mul3A_54 = arith.constant 128 : i32
      %mul3A_55 = arith.muli %scan3A_53, %mul3A_54 : i32
      %add3A_56 = arith.constant 0 : i32
      %add3A_57 = arith.addi %mul3A_55, %add3A_56 : i32
      %get3A = arith.index_cast %add3A_57 : i32 to index
      %get3A_58 = tpu.vector_load %arg6[%get3A] {strides = array<i32>} : memref<4096xi32, #tpu.memory_space<vmem>>, vector<16xi32>,
      %get3A_59 = vector.shape_cast %get3A_58 : vector<16xi32> to vector<16xi32>
      %mul3A_60 = arith.constant 128 : i32
      %mul3A_61 = arith.muli %scan3A_53, %mul3A_60 : i32
      %add3A_62 = arith.constant 0 : i32
      %add3A_63 = arith.addi %mul3A_61, %add3A_62 : i32
      %get3A_64 = arith.index_cast %add3A_63 : i32 to index
      %get3A_65 = tpu.vector_load %arg7[%get3A_64] {strides = array<i32>} : memref<4096xi32, #tpu.memory_space<vmem>>, vector<16xi32>,
      %get3A_66 = vector.shape_cast %get3A_65 : vector<16xi32> to vector<16xi32>
      %shift_right_arithmetic3A = arith.constant 7 : i32
      %shift_right_arithmetic3A_67 = vector.broadcast %shift_right_arithmetic3A : i32 to vector<16xi32>
      %shift_right_arithmetic3A_68 = arith.shrsi %get3A_66, %shift_right_arithmetic3A_67 : vector<16xi32>
      %shift_left3A = arith.constant 17 : i32
      %shift_left3A_69 = vector.broadcast %shift_left3A : i32 to vector<16xi32>
      %shift_left3A_70 = arith.shli %shift_right_arithmetic3A_68, %shift_left3A_69 : vector<16xi32>
      %add3A_71 = vector.broadcast %mul3A_37 : i32 to vector<16xi32>
      %add3A_72 = arith.addi %add3A_71, %shift_left3A_70 : vector<16xi32>
      %shift_left3A_73 = arith.constant 7 : i32
      %shift_left3A_74 = vector.broadcast %shift_left3A_73 : i32 to vector<16xi32>
      %shift_left3A_75 = arith.shli %get3A_59, %shift_left3A_74 : vector<16xi32>
      %add3A_76 = arith.addi %add3A_72, %shift_left3A_75 : vector<16xi32>
      %and3A_77 = arith.constant 127 : i32
      %and3A_78 = vector.broadcast %and3A_77 : i32 to vector<16xi32>
      %and3A_79 = arith.andi %get3A_66, %and3A_78 : vector<16xi32>
      %add3A_80 = arith.addi %add3A_76, %and3A_79 : vector<16xi32>
      %swap3A_81 = arith.index_cast %scan3A_53 : i32 to index
      %swap3A_82 = arith.constant 0 : index
      %swap3A_83 = tpu.vector_load %arg9[%swap3A_81, %swap3A_82] {strides = array<i32>} : memref<32x128xi32, #tpu.memory_space<vmem>>, vector<1x16xi32>,
      %swap3A_84 = vector.shape_cast %swap3A_83 : vector<1x16xi32> to vector<16xi32>
      %swap3A_85 = vector.shape_cast %add3A_80 : vector<16xi32> to vector<1x16xi32>
      tpu.vector_store %arg9[%swap3A_81, %swap3A_82], %swap3A_85 {strides = array<i32>} : memref<32x128xi32, #tpu.memory_space<vmem>>, vector<1x16xi32>,
      %mul3A_86 = arith.constant 128 : i32
      %mul3A_87 = arith.muli %scan3A_53, %mul3A_86 : i32
      %add3A_88 = arith.constant 16 : i32
      %add3A_89 = arith.addi %mul3A_87, %add3A_88 : i32
      %get3A_90 = arith.index_cast %add3A_89 : i32 to index
      %get3A_91 = tpu.vector_load %arg6[%get3A_90] {strides = array<i32>} : memref<4096xi32, #tpu.memory_space<vmem>>, vector<16xi32>,
      %get3A_92 = vector.shape_cast %get3A_91 : vector<16xi32> to vector<16xi32>
      %mul3A_93 = arith.constant 128 : i32
      %mul3A_94 = arith.muli %scan3A_53, %mul3A_93 : i32
      %add3A_95 = arith.constant 16 : i32
      %add3A_96 = arith.addi %mul3A_94, %add3A_95 : i32
      %get3A_97 = arith.index_cast %add3A_96 : i32 to index
      %get3A_98 = tpu.vector_load %arg7[%get3A_97] {strides = array<i32>} : memref<4096xi32, #tpu.memory_space<vmem>>, vector<16xi32>,
      %get3A_99 = vector.shape_cast %get3A_98 : vector<16xi32> to vector<16xi32>
      %shift_right_arithmetic3A_100 = arith.constant 7 : i32
      %shift_right_arithmetic3A_101 = vector.broadcast %shift_right_arithmetic3A_100 : i32 to vector<16xi32>
      %shift_right_arithmetic3A_102 = arith.shrsi %get3A_99, %shift_right_arithmetic3A_101 : vector<16xi32>
      %shift_left3A_103 = arith.constant 17 : i32
      %shift_left3A_104 = vector.broadcast %shift_left3A_103 : i32 to vector<16xi32>
      %shift_left3A_105 = arith.shli %shift_right_arithmetic3A_102, %shift_left3A_104 : vector<16xi32>
      %add3A_106 = vector.broadcast %mul3A_37 : i32 to vector<16xi32>
      %add3A_107 = arith.addi %add3A_106, %shift_left3A_105 : vector<16xi32>
      %shift_left3A_108 = arith.constant 7 : i32
      %shift_left3A_109 = vector.broadcast %shift_left3A_108 : i32 to vector<16xi32>
      %shift_left3A_110 = arith.shli %get3A_92, %shift_left3A_109 : vector<16xi32>
      %add3A_111 = arith.addi %add3A_107, %shift_left3A_110 : vector<16xi32>
      %and3A_112 = arith.constant 127 : i32
      %and3A_113 = vector.broadcast %and3A_112 : i32 to vector<16xi32>
      %and3A_114 = arith.andi %get3A_99, %and3A_113 : vector<16xi32>
      %add3A_115 = arith.addi %add3A_111, %and3A_114 : vector<16xi32>
      %swap3A_116 = arith.index_cast %scan3A_53 : i32 to index
      %swap3A_117 = arith.constant 16 : index
      %swap3A_118 = tpu.vector_load %arg9[%swap3A_116, %swap3A_117] {strides = array<i32>} : memref<32x128xi32, #tpu.memory_space<vmem>>, vector<1x16xi32>,
      %swap3A_119 = vector.shape_cast %swap3A_118 : vector<1x16xi32> to vector<16xi32>
      %swap3A_120 = vector.shape_cast %add3A_115 : vector<16xi32> to vector<1x16xi32>
      tpu.vector_store %arg9[%swap3A_116, %swap3A_117], %swap3A_120 {strides = array<i32>} : memref<32x128xi32, #tpu.memory_space<vmem>>, vector<1x16xi32>,
      %mul3A_121 = arith.constant 128 : i32
      %mul3A_122 = arith.muli %scan3A_53, %mul3A_121 : i32
      %add3A_123 = arith.constant 32 : i32
      %add3A_124 = arith.addi %mul3A_122, %add3A_123 : i32
      %get3A_125 = arith.index_cast %add3A_124 : i32 to index
      %get3A_126 = tpu.vector_load %arg6[%get3A_125] {strides = array<i32>} : memref<4096xi32, #tpu.memory_space<vmem>>, vector<16xi32>,
      %get3A_127 = vector.shape_cast %get3A_126 : vector<16xi32> to vector<16xi32>
      %mul3A_128 = arith.constant 128 : i32
      %mul3A_129 = arith.muli %scan3A_53, %mul3A_128 : i32
      %add3A_130 = arith.constant 32 : i32
      %add3A_131 = arith.addi %mul3A_129, %add3A_130 : i32
      %get3A_132 = arith.index_cast %add3A_131 : i32 to index
      %get3A_133 = tpu.vector_load %arg7[%get3A_132] {strides = array<i32>} : memref<4096xi32, #tpu.memory_space<vmem>>, vector<16xi32>,
      %get3A_134 = vector.shape_cast %get3A_133 : vector<16xi32> to vector<16xi32>
      %shift_right_arithmetic3A_135 = arith.constant 7 : i32
      %shift_right_arithmetic3A_136 = vector.broadcast %shift_right_arithmetic3A_135 : i32 to vector<16xi32>
      %shift_right_arithmetic3A_137 = arith.shrsi %get3A_134, %shift_right_arithmetic3A_136 : vector<16xi32>
      %shift_left3A_138 = arith.constant 17 : i32
      %shift_left3A_139 = vector.broadcast %shift_left3A_138 : i32 to vector<16xi32>
      %shift_left3A_140 = arith.shli %shift_right_arithmetic3A_137, %shift_left3A_139 : vector<16xi32>
      %add3A_141 = vector.broadcast %mul3A_37 : i32 to vector<16xi32>
      %add3A_142 = arith.addi %add3A_141, %shift_left3A_140 : vector<16xi32>
      %shift_left3A_143 = arith.constant 7 : i32
      %shift_left3A_144 = vector.broadcast %shift_left3A_143 : i32 to vector<16xi32>
      %shift_left3A_145 = arith.shli %get3A_127, %shift_left3A_144 : vector<16xi32>
      %add3A_146 = arith.addi %add3A_142, %shift_left3A_145 : vector<16xi32>
      %and3A_147 = arith.constant 127 : i32
      %and3A_148 = vector.broadcast %and3A_147 : i32 to vector<16xi32>
      %and3A_149 = arith.andi %get3A_134, %and3A_148 : vector<16xi32>
      %add3A_150 = arith.addi %add3A_146, %and3A_149 : vector<16xi32>
      %swap3A_151 = arith.index_cast %scan3A_53 : i32 to index
      %swap3A_152 = arith.constant 32 : index
      %swap3A_153 = tpu.vector_load %arg9[%swap3A_151, %swap3A_152] {strides = array<i32>} : memref<32x128xi32, #tpu.memory_space<vmem>>, vector<1x16xi32>,
      %swap3A_154 = vector.shape_cast %swap3A_153 : vector<1x16xi32> to vector<16xi32>
      %swap3A_155 = vector.shape_cast %add3A_150 : vector<16xi32> to vector<1x16xi32>
      tpu.vector_store %arg9[%swap3A_151, %swap3A_152], %swap3A_155 {strides = array<i32>} : memref<32x128xi32, #tpu.memory_space<vmem>>, vector<1x16xi32>,
      %mul3A_156 = arith.constant 128 : i32
      %mul3A_157 = arith.muli %scan3A_53, %mul3A_156 : i32
      %add3A_158 = arith.constant 48 : i32
      %add3A_159 = arith.addi %mul3A_157, %add3A_158 : i32
      %get3A_160 = arith.index_cast %add3A_159 : i32 to index
      %get3A_161 = tpu.vector_load %arg6[%get3A_160] {strides = array<i32>} : memref<4096xi32, #tpu.memory_space<vmem>>, vector<16xi32>,
      %get3A_162 = vector.shape_cast %get3A_161 : vector<16xi32> to vector<16xi32>
      %mul3A_163 = arith.constant 128 : i32
      %mul3A_164 = arith.muli %scan3A_53, %mul3A_163 : i32
      %add3A_165 = arith.constant 48 : i32
      %add3A_166 = arith.addi %mul3A_164, %add3A_165 : i32
      %get3A_167 = arith.index_cast %add3A_166 : i32 to index
      %get3A_168 = tpu.vector_load %arg7[%get3A_167] {strides = array<i32>} : memref<4096xi32, #tpu.memory_space<vmem>>, vector<16xi32>,
      %get3A_169 = vector.shape_cast %get3A_168 : vector<16xi32> to vector<16xi32>
      %shift_right_arithmetic3A_170 = arith.constant 7 : i32
      %shift_right_arithmetic3A_171 = vector.broadcast %shift_right_arithmetic3A_170 : i32 to vector<16xi32>
      %shift_right_arithmetic3A_172 = arith.shrsi %get3A_169, %shift_right_arithmetic3A_171 : vector<16xi32>
      %shift_left3A_173 = arith.constant 17 : i32
      %shift_left3A_174 = vector.broadcast %shift_left3A_173 : i32 to vector<16xi32>
      %shift_left3A_175 = arith.shli %shift_right_arithmetic3A_172, %shift_left3A_174 : vector<16xi32>
      %add3A_176 = vector.broadcast %mul3A_37 : i32 to vector<16xi32>
      %add3A_177 = arith.addi %add3A_176, %shift_left3A_175 : vector<16xi32>
      %shift_left3A_178 = arith.constant 7 : i32
      %shift_left3A_179 = vector.broadcast %shift_left3A_178 : i32 to vector<16xi32>
      %shift_left3A_180 = arith.shli %get3A_162, %shift_left3A_179 : vector<16xi32>
      %add3A_181 = arith.addi %add3A_177, %shift_left3A_180 : vector<16xi32>
      %and3A_182 = arith.constant 127 : i32
      %and3A_183 = vector.broadcast %and3A_182 : i32 to vector<16xi32>
      %and3A_184 = arith.andi %get3A_169, %and3A_183 : vector<16xi32>
      %add3A_185 = arith.addi %add3A_181, %and3A_184 : vector<16xi32>
      %swap3A_186 = arith.index_cast %scan3A_53 : i32 to index
      %swap3A_187 = arith.constant 48 : index
      %swap3A_188 = tpu.vector_load %arg9[%swap3A_186, %swap3A_187] {strides = array<i32>} : memref<32x128xi32, #tpu.memory_space<vmem>>, vector<1x16xi32>,
      %swap3A_189 = vector.shape_cast %swap3A_188 : vector<1x16xi32> to vector<16xi32>
      %swap3A_190 = vector.shape_cast %add3A_185 : vector<16xi32> to vector<1x16xi32>
      tpu.vector_store %arg9[%swap3A_186, %swap3A_187], %swap3A_190 {strides = array<i32>} : memref<32x128xi32, #tpu.memory_space<vmem>>, vector<1x16xi32>,
      %mul3A_191 = arith.constant 128 : i32
      %mul3A_192 = arith.muli %scan3A_53, %mul3A_191 : i32
      %add3A_193 = arith.constant 64 : i32
      %add3A_194 = arith.addi %mul3A_192, %add3A_193 : i32
      %get3A_195 = arith.index_cast %add3A_194 : i32 to index
      %get3A_196 = tpu.vector_load %arg6[%get3A_195] {strides = array<i32>} : memref<4096xi32, #tpu.memory_space<vmem>>, vector<16xi32>,
      %get3A_197 = vector.shape_cast %get3A_196 : vector<16xi32> to vector<16xi32>
      %mul3A_198 = arith.constant 128 : i32
      %mul3A_199 = arith.muli %scan3A_53, %mul3A_198 : i32
      %add3A_200 = arith.constant 64 : i32
      %add3A_201 = arith.addi %mul3A_199, %add3A_200 : i32
      %get3A_202 = arith.index_cast %add3A_201 : i32 to index
      %get3A_203 = tpu.vector_load %arg7[%get3A_202] {strides = array<i32>} : memref<4096xi32, #tpu.memory_space<vmem>>, vector<16xi32>,
      %get3A_204 = vector.shape_cast %get3A_203 : vector<16xi32> to vector<16xi32>
      %shift_right_arithmetic3A_205 = arith.constant 7 : i32
      %shift_right_arithmetic3A_206 = vector.broadcast %shift_right_arithmetic3A_205 : i32 to vector<16xi32>
      %shift_right_arithmetic3A_207 = arith.shrsi %get3A_204, %shift_right_arithmetic3A_206 : vector<16xi32>
      %shift_left3A_208 = arith.constant 17 : i32
      %shift_left3A_209 = vector.broadcast %shift_left3A_208 : i32 to vector<16xi32>
      %shift_left3A_210 = arith.shli %shift_right_arithmetic3A_207, %shift_left3A_209 : vector<16xi32>
      %add3A_211 = vector.broadcast %mul3A_37 : i32 to vector<16xi32>
      %add3A_212 = arith.addi %add3A_211, %shift_left3A_210 : vector<16xi32>
      %shift_left3A_213 = arith.constant 7 : i32
      %shift_left3A_214 = vector.broadcast %shift_left3A_213 : i32 to vector<16xi32>
      %shift_left3A_215 = arith.shli %get3A_197, %shift_left3A_214 : vector<16xi32>
      %add3A_216 = arith.addi %add3A_212, %shift_left3A_215 : vector<16xi32>
      %and3A_217 = arith.constant 127 : i32
      %and3A_218 = vector.broadcast %and3A_217 : i32 to vector<16xi32>
      %and3A_219 = arith.andi %get3A_204, %and3A_218 : vector<16xi32>
      %add3A_220 = arith.addi %add3A_216, %and3A_219 : vector<16xi32>
      %swap3A_221 = arith.index_cast %scan3A_53 : i32 to index
      %swap3A_222 = arith.constant 64 : index
      %swap3A_223 = tpu.vector_load %arg9[%swap3A_221, %swap3A_222] {strides = array<i32>} : memref<32x128xi32, #tpu.memory_space<vmem>>, vector<1x16xi32>,
      %swap3A_224 = vector.shape_cast %swap3A_223 : vector<1x16xi32> to vector<16xi32>
      %swap3A_225 = vector.shape_cast %add3A_220 : vector<16xi32> to vector<1x16xi32>
      tpu.vector_store %arg9[%swap3A_221, %swap3A_222], %swap3A_225 {strides = array<i32>} : memref<32x128xi32, #tpu.memory_space<vmem>>, vector<1x16xi32>,
      %mul3A_226 = arith.constant 128 : i32
      %mul3A_227 = arith.muli %scan3A_53, %mul3A_226 : i32
      %add3A_228 = arith.constant 80 : i32
      %add3A_229 = arith.addi %mul3A_227, %add3A_228 : i32
      %get3A_230 = arith.index_cast %add3A_229 : i32 to index
      %get3A_231 = tpu.vector_load %arg6[%get3A_230] {strides = array<i32>} : memref<4096xi32, #tpu.memory_space<vmem>>, vector<16xi32>,
      %get3A_232 = vector.shape_cast %get3A_231 : vector<16xi32> to vector<16xi32>
      %mul3A_233 = arith.constant 128 : i32
      %mul3A_234 = arith.muli %scan3A_53, %mul3A_233 : i32
      %add3A_235 = arith.constant 80 : i32
      %add3A_236 = arith.addi %mul3A_234, %add3A_235 : i32
      %get3A_237 = arith.index_cast %add3A_236 : i32 to index
      %get3A_238 = tpu.vector_load %arg7[%get3A_237] {strides = array<i32>} : memref<4096xi32, #tpu.memory_space<vmem>>, vector<16xi32>,
      %get3A_239 = vector.shape_cast %get3A_238 : vector<16xi32> to vector<16xi32>
      %shift_right_arithmetic3A_240 = arith.constant 7 : i32
      %shift_right_arithmetic3A_241 = vector.broadcast %shift_right_arithmetic3A_240 : i32 to vector<16xi32>
      %shift_right_arithmetic3A_242 = arith.shrsi %get3A_239, %shift_right_arithmetic3A_241 : vector<16xi32>
      %shift_left3A_243 = arith.constant 17 : i32
      %shift_left3A_244 = vector.broadcast %shift_left3A_243 : i32 to vector<16xi32>
      %shift_left3A_245 = arith.shli %shift_right_arithmetic3A_242, %shift_left3A_244 : vector<16xi32>
      %add3A_246 = vector.broadcast %mul3A_37 : i32 to vector<16xi32>
      %add3A_247 = arith.addi %add3A_246, %shift_left3A_245 : vector<16xi32>
      %shift_left3A_248 = arith.constant 7 : i32
      %shift_left3A_249 = vector.broadcast %shift_left3A_248 : i32 to vector<16xi32>
      %shift_left3A_250 = arith.shli %get3A_232, %shift_left3A_249 : vector<16xi32>
      %add3A_251 = arith.addi %add3A_247, %shift_left3A_250 : vector<16xi32>
      %and3A_252 = arith.constant 127 : i32
      %and3A_253 = vector.broadcast %and3A_252 : i32 to vector<16xi32>
      %and3A_254 = arith.andi %get3A_239, %and3A_253 : vector<16xi32>
      %add3A_255 = arith.addi %add3A_251, %and3A_254 : vector<16xi32>
      %swap3A_256 = arith.index_cast %scan3A_53 : i32 to index
      %swap3A_257 = arith.constant 80 : index
      %swap3A_258 = tpu.vector_load %arg9[%swap3A_256, %swap3A_257] {strides = array<i32>} : memref<32x128xi32, #tpu.memory_space<vmem>>, vector<1x16xi32>,
      %swap3A_259 = vector.shape_cast %swap3A_258 : vector<1x16xi32> to vector<16xi32>
      %swap3A_260 = vector.shape_cast %add3A_255 : vector<16xi32> to vector<1x16xi32>
      tpu.vector_store %arg9[%swap3A_256, %swap3A_257], %swap3A_260 {strides = array<i32>} : memref<32x128xi32, #tpu.memory_space<vmem>>, vector<1x16xi32>,
      %mul3A_261 = arith.constant 128 : i32
      %mul3A_262 = arith.muli %scan3A_53, %mul3A_261 : i32
      %add3A_263 = arith.constant 96 : i32
      %add3A_264 = arith.addi %mul3A_262, %add3A_263 : i32
      %get3A_265 = arith.index_cast %add3A_264 : i32 to index
      %get3A_266 = tpu.vector_load %arg6[%get3A_265] {strides = array<i32>} : memref<4096xi32, #tpu.memory_space<vmem>>, vector<16xi32>,
      %get3A_267 = vector.shape_cast %get3A_266 : vector<16xi32> to vector<16xi32>
      %mul3A_268 = arith.constant 128 : i32
      %mul3A_269 = arith.muli %scan3A_53, %mul3A_268 : i32
      %add3A_270 = arith.constant 96 : i32
      %add3A_271 = arith.addi %mul3A_269, %add3A_270 : i32
      %get3A_272 = arith.index_cast %add3A_271 : i32 to index
      %get3A_273 = tpu.vector_load %arg7[%get3A_272] {strides = array<i32>} : memref<4096xi32, #tpu.memory_space<vmem>>, vector<16xi32>,
      %get3A_274 = vector.shape_cast %get3A_273 : vector<16xi32> to vector<16xi32>
      %shift_right_arithmetic3A_275 = arith.constant 7 : i32
      %shift_right_arithmetic3A_276 = vector.broadcast %shift_right_arithmetic3A_275 : i32 to vector<16xi32>
      %shift_right_arithmetic3A_277 = arith.shrsi %get3A_274, %shift_right_arithmetic3A_276 : vector<16xi32>
      %shift_left3A_278 = arith.constant 17 : i32
      %shift_left3A_279 = vector.broadcast %shift_left3A_278 : i32 to vector<16xi32>
      %shift_left3A_280 = arith.shli %shift_right_arithmetic3A_277, %shift_left3A_279 : vector<16xi32>
      %add3A_281 = vector.broadcast %mul3A_37 : i32 to vector<16xi32>
      %add3A_282 = arith.addi %add3A_281, %shift_left3A_280 : vector<16xi32>
      %shift_left3A_283 = arith.constant 7 : i32
      %shift_left3A_284 = vector.broadcast %shift_left3A_283 : i32 to vector<16xi32>
      %shift_left3A_285 = arith.shli %get3A_267, %shift_left3A_284 : vector<16xi32>
      %add3A_286 = arith.addi %add3A_282, %shift_left3A_285 : vector<16xi32>
      %and3A_287 = arith.constant 127 : i32
      %and3A_288 = vector.broadcast %and3A_287 : i32 to vector<16xi32>
      %and3A_289 = arith.andi %get3A_274, %and3A_288 : vector<16xi32>
      %add3A_290 = arith.addi %add3A_286, %and3A_289 : vector<16xi32>
      %swap3A_291 = arith.index_cast %scan3A_53 : i32 to index
      %swap3A_292 = arith.constant 96 : index
      %swap3A_293 = tpu.vector_load %arg9[%swap3A_291, %swap3A_292] {strides = array<i32>} : memref<32x128xi32, #tpu.memory_space<vmem>>, vector<1x16xi32>,
      %swap3A_294 = vector.shape_cast %swap3A_293 : vector<1x16xi32> to vector<16xi32>
      %swap3A_295 = vector.shape_cast %add3A_290 : vector<16xi32> to vector<1x16xi32>
      tpu.vector_store %arg9[%swap3A_291, %swap3A_292], %swap3A_295 {strides = array<i32>} : memref<32x128xi32, #tpu.memory_space<vmem>>, vector<1x16xi32>,
      %mul3A_296 = arith.constant 128 : i32
      %mul3A_297 = arith.muli %scan3A_53, %mul3A_296 : i32
      %add3A_298 = arith.constant 112 : i32
      %add3A_299 = arith.addi %mul3A_297, %add3A_298 : i32
      %get3A_300 = arith.index_cast %add3A_299 : i32 to index
      %get3A_301 = tpu.vector_load %arg6[%get3A_300] {strides = array<i32>} : memref<4096xi32, #tpu.memory_space<vmem>>, vector<16xi32>,
      %get3A_302 = vector.shape_cast %get3A_301 : vector<16xi32> to vector<16xi32>
      %mul3A_303 = arith.constant 128 : i32
      %mul3A_304 = arith.muli %scan3A_53, %mul3A_303 : i32
      %add3A_305 = arith.constant 112 : i32
      %add3A_306 = arith.addi %mul3A_304, %add3A_305 : i32
      %get3A_307 = arith.index_cast %add3A_306 : i32 to index
      %get3A_308 = tpu.vector_load %arg7[%get3A_307] {strides = array<i32>} : memref<4096xi32, #tpu.memory_space<vmem>>, vector<16xi32>,
      %get3A_309 = vector.shape_cast %get3A_308 : vector<16xi32> to vector<16xi32>
      %shift_right_arithmetic3A_310 = arith.constant 7 : i32
      %shift_right_arithmetic3A_311 = vector.broadcast %shift_right_arithmetic3A_310 : i32 to vector<16xi32>
      %shift_right_arithmetic3A_312 = arith.shrsi %get3A_309, %shift_right_arithmetic3A_311 : vector<16xi32>
      %shift_left3A_313 = arith.constant 17 : i32
      %shift_left3A_314 = vector.broadcast %shift_left3A_313 : i32 to vector<16xi32>
      %shift_left3A_315 = arith.shli %shift_right_arithmetic3A_312, %shift_left3A_314 : vector<16xi32>
      %add3A_316 = vector.broadcast %mul3A_37 : i32 to vector<16xi32>
      %add3A_317 = arith.addi %add3A_316, %shift_left3A_315 : vector<16xi32>
      %shift_left3A_318 = arith.constant 7 : i32
      %shift_left3A_319 = vector.broadcast %shift_left3A_318 : i32 to vector<16xi32>
      %shift_left3A_320 = arith.shli %get3A_302, %shift_left3A_319 : vector<16xi32>
      %add3A_321 = arith.addi %add3A_317, %shift_left3A_320 : vector<16xi32>
      %and3A_322 = arith.constant 127 : i32
      %and3A_323 = vector.broadcast %and3A_322 : i32 to vector<16xi32>
      %and3A_324 = arith.andi %get3A_309, %and3A_323 : vector<16xi32>
      %add3A_325 = arith.addi %add3A_321, %and3A_324 : vector<16xi32>
      %swap3A_326 = arith.index_cast %scan3A_53 : i32 to index
      %swap3A_327 = arith.constant 112 : index
      %swap3A_328 = tpu.vector_load %arg9[%swap3A_326, %swap3A_327] {strides = array<i32>} : memref<32x128xi32, #tpu.memory_space<vmem>>, vector<1x16xi32>,
      %swap3A_329 = vector.shape_cast %swap3A_328 : vector<1x16xi32> to vector<16xi32>
      %swap3A_330 = vector.shape_cast %add3A_325 : vector<16xi32> to vector<1x16xi32>
      tpu.vector_store %arg9[%swap3A_326, %swap3A_327], %swap3A_330 {strides = array<i32>} : memref<32x128xi32, #tpu.memory_space<vmem>>, vector<1x16xi32>,
      %dma_start3A = arith.constant 0 : i32
      %dma_start3A_331 = tpu.memref_slice %arg10[%scan3A_53, %dma_start3A] : memref<32x128xf32, #tpu.memory_space<vmem>> -> memref<1x128xf32, #tpu.memory_space<vmem>>
      %dma_start3A_332 = tpu.memref_squeeze %dma_start3A_331 : memref<1x128xf32, #tpu.memory_space<vmem>> -> memref<128xf32, #tpu.memory_space<vmem>>
      %dma_start3A_333 = arith.constant 0 : i32
      %dma_start3A_334 = tpu.memref_slice %arg9[%scan3A_53, %dma_start3A_333] : memref<32x128xi32, #tpu.memory_space<vmem>> -> memref<1x128xi32, #tpu.memory_space<vmem>>
      %dma_start3A_335 = tpu.memref_squeeze %dma_start3A_334 : memref<1x128xi32, #tpu.memory_space<vmem>> -> memref<128xi32, #tpu.memory_space<vmem>>
      %dma_start3A_336 = arith.constant 0 : i32
      %dma_start3A_337 = tpu.memref_slice %arg4[%dma_start3A_336] : memref<8388608xf32, #tpu.memory_space<hbm>> -> memref<8388608xf32, #tpu.memory_space<hbm>>
      tpu.enqueue_indirect_dma source(%dma_start3A_337 : memref<8388608xf32, #tpu.memory_space<hbm>>) target(%dma_start3A_332 : memref<128xf32, #tpu.memory_space<vmem>>) offsets(%dma_start3A_335 : memref<128xi32, #tpu.memory_space<vmem>>) semaphore(%arg12 : memref<!tpu.dma_semaphore, #tpu.memory_space<semaphore_mem>>)
    }
    %scan3A_42 = arith.constant 32 : i32
    %broadcast_in_dim3A = arith.constant 0.000000e+00 : f32
    %broadcast_in_dim3A_43 = vector.broadcast %broadcast_in_dim3A : f32 to vector<16xf32>
    %scan3A_44 = arith.constant 0 : i32
    %scan3A_45 = arith.constant 32 : i32
    %scan3A_46 = arith.addi %scan3A_44, %scan3A_45 : i32
    %scan3A_47 = arith.constant 1 : i32
    %scan3A_48 = scf.for %scan3A_53 = %scan3A_44 to %scan3A_46 step %scan3A_47 iter_args(%scan3A_54 = %broadcast_in_dim3A_43) -> (vector<16xf32>)  : i32 {
      %dma_wait3A = arith.constant 0 : i32
      %dma_wait3A_55 = tpu.memref_slice %arg10[%scan3A_53, %dma_wait3A] : memref<32x128xf32, #tpu.memory_space<vmem>> -> memref<1x128xf32, #tpu.memory_space<vmem>>
      %dma_wait3A_56 = tpu.memref_squeeze %dma_wait3A_55 : memref<1x128xf32, #tpu.memory_space<vmem>> -> memref<128xf32, #tpu.memory_space<vmem>>
      %dma_wait3A_57 = arith.constant 0 : i32
      %dma_wait3A_58 = tpu.memref_slice %arg9[%scan3A_53, %dma_wait3A_57] : memref<32x128xi32, #tpu.memory_space<vmem>> -> memref<1x128xi32, #tpu.memory_space<vmem>>
      %dma_wait3A_59 = tpu.memref_squeeze %dma_wait3A_58 : memref<1x128xi32, #tpu.memory_space<vmem>> -> memref<128xi32, #tpu.memory_space<vmem>>
      %dma_wait3A_60 = arith.constant 0 : i32
      %dma_wait3A_61 = tpu.memref_slice %arg4[%dma_wait3A_60] : memref<8388608xf32, #tpu.memory_space<hbm>> -> memref<8388608xf32, #tpu.memory_space<hbm>>
      tpu.wait_indirect_dma semaphore(%arg12 : memref<!tpu.dma_semaphore, #tpu.memory_space<semaphore_mem>>) src(%dma_wait3A_61 : memref<8388608xf32, #tpu.memory_space<hbm>>) dst(%dma_wait3A_56 : memref<128xf32, #tpu.memory_space<vmem>>)
      %get3A = arith.index_cast %scan3A_53 : i32 to index
      %get3A_62 = arith.constant 0 : index
      %get3A_63 = tpu.vector_load %arg10[%get3A, %get3A_62] {strides = array<i32>} : memref<32x128xf32, #tpu.memory_space<vmem>>, vector<1x16xf32>,
      %get3A_64 = vector.shape_cast %get3A_63 : vector<1x16xf32> to vector<16xf32>
      %mul3A_65 = arith.constant 128 : i32
      %mul3A_66 = arith.muli %scan3A_53, %mul3A_65 : i32
      %add3A_67 = arith.constant 0 : i32
      %add3A_68 = arith.addi %mul3A_66, %add3A_67 : i32
      %get3A_69 = arith.index_cast %add3A_68 : i32 to index
      %get3A_70 = tpu.vector_load %arg8[%get3A_69] {strides = array<i32>} : memref<4096xf32, #tpu.memory_space<vmem>>, vector<16xf32>,
      %get3A_71 = vector.shape_cast %get3A_70 : vector<16xf32> to vector<16xf32>
      %mul3A_72 = arith.mulf %get3A_64, %get3A_71 : vector<16xf32>
      %add3A_73 = arith.addf %scan3A_54, %mul3A_72 : vector<16xf32>
      %get3A_74 = arith.index_cast %scan3A_53 : i32 to index
      %get3A_75 = arith.constant 16 : index
      %get3A_76 = tpu.vector_load %arg10[%get3A_74, %get3A_75] {strides = array<i32>} : memref<32x128xf32, #tpu.memory_space<vmem>>, vector<1x16xf32>,
      %get3A_77 = vector.shape_cast %get3A_76 : vector<1x16xf32> to vector<16xf32>
      %mul3A_78 = arith.constant 128 : i32
      %mul3A_79 = arith.muli %scan3A_53, %mul3A_78 : i32
      %add3A_80 = arith.constant 16 : i32
      %add3A_81 = arith.addi %mul3A_79, %add3A_80 : i32
      %get3A_82 = arith.index_cast %add3A_81 : i32 to index
      %get3A_83 = tpu.vector_load %arg8[%get3A_82] {strides = array<i32>} : memref<4096xf32, #tpu.memory_space<vmem>>, vector<16xf32>,
      %get3A_84 = vector.shape_cast %get3A_83 : vector<16xf32> to vector<16xf32>
      %mul3A_85 = arith.mulf %get3A_77, %get3A_84 : vector<16xf32>
      %add3A_86 = arith.addf %add3A_73, %mul3A_85 : vector<16xf32>
      %get3A_87 = arith.index_cast %scan3A_53 : i32 to index
      %get3A_88 = arith.constant 32 : index
      %get3A_89 = tpu.vector_load %arg10[%get3A_87, %get3A_88] {strides = array<i32>} : memref<32x128xf32, #tpu.memory_space<vmem>>, vector<1x16xf32>,
      %get3A_90 = vector.shape_cast %get3A_89 : vector<1x16xf32> to vector<16xf32>
      %mul3A_91 = arith.constant 128 : i32
      %mul3A_92 = arith.muli %scan3A_53, %mul3A_91 : i32
      %add3A_93 = arith.constant 32 : i32
      %add3A_94 = arith.addi %mul3A_92, %add3A_93 : i32
      %get3A_95 = arith.index_cast %add3A_94 : i32 to index
      %get3A_96 = tpu.vector_load %arg8[%get3A_95] {strides = array<i32>} : memref<4096xf32, #tpu.memory_space<vmem>>, vector<16xf32>,
      %get3A_97 = vector.shape_cast %get3A_96 : vector<16xf32> to vector<16xf32>
      %mul3A_98 = arith.mulf %get3A_90, %get3A_97 : vector<16xf32>
      %add3A_99 = arith.addf %add3A_86, %mul3A_98 : vector<16xf32>
      %get3A_100 = arith.index_cast %scan3A_53 : i32 to index
      %get3A_101 = arith.constant 48 : index
      %get3A_102 = tpu.vector_load %arg10[%get3A_100, %get3A_101] {strides = array<i32>} : memref<32x128xf32, #tpu.memory_space<vmem>>, vector<1x16xf32>,
      %get3A_103 = vector.shape_cast %get3A_102 : vector<1x16xf32> to vector<16xf32>
      %mul3A_104 = arith.constant 128 : i32
      %mul3A_105 = arith.muli %scan3A_53, %mul3A_104 : i32
      %add3A_106 = arith.constant 48 : i32
      %add3A_107 = arith.addi %mul3A_105, %add3A_106 : i32
      %get3A_108 = arith.index_cast %add3A_107 : i32 to index
      %get3A_109 = tpu.vector_load %arg8[%get3A_108] {strides = array<i32>} : memref<4096xf32, #tpu.memory_space<vmem>>, vector<16xf32>,
      %get3A_110 = vector.shape_cast %get3A_109 : vector<16xf32> to vector<16xf32>
      %mul3A_111 = arith.mulf %get3A_103, %get3A_110 : vector<16xf32>
      %add3A_112 = arith.addf %add3A_99, %mul3A_111 : vector<16xf32>
      %get3A_113 = arith.index_cast %scan3A_53 : i32 to index
      %get3A_114 = arith.constant 64 : index
      %get3A_115 = tpu.vector_load %arg10[%get3A_113, %get3A_114] {strides = array<i32>} : memref<32x128xf32, #tpu.memory_space<vmem>>, vector<1x16xf32>,
      %get3A_116 = vector.shape_cast %get3A_115 : vector<1x16xf32> to vector<16xf32>
      %mul3A_117 = arith.constant 128 : i32
      %mul3A_118 = arith.muli %scan3A_53, %mul3A_117 : i32
      %add3A_119 = arith.constant 64 : i32
      %add3A_120 = arith.addi %mul3A_118, %add3A_119 : i32
      %get3A_121 = arith.index_cast %add3A_120 : i32 to index
      %get3A_122 = tpu.vector_load %arg8[%get3A_121] {strides = array<i32>} : memref<4096xf32, #tpu.memory_space<vmem>>, vector<16xf32>,
      %get3A_123 = vector.shape_cast %get3A_122 : vector<16xf32> to vector<16xf32>
      %mul3A_124 = arith.mulf %get3A_116, %get3A_123 : vector<16xf32>
      %add3A_125 = arith.addf %add3A_112, %mul3A_124 : vector<16xf32>
      %get3A_126 = arith.index_cast %scan3A_53 : i32 to index
      %get3A_127 = arith.constant 80 : index
      %get3A_128 = tpu.vector_load %arg10[%get3A_126, %get3A_127] {strides = array<i32>} : memref<32x128xf32, #tpu.memory_space<vmem>>, vector<1x16xf32>,
      %get3A_129 = vector.shape_cast %get3A_128 : vector<1x16xf32> to vector<16xf32>
      %mul3A_130 = arith.constant 128 : i32
      %mul3A_131 = arith.muli %scan3A_53, %mul3A_130 : i32
      %add3A_132 = arith.constant 80 : i32
      %add3A_133 = arith.addi %mul3A_131, %add3A_132 : i32
      %get3A_134 = arith.index_cast %add3A_133 : i32 to index
      %get3A_135 = tpu.vector_load %arg8[%get3A_134] {strides = array<i32>} : memref<4096xf32, #tpu.memory_space<vmem>>, vector<16xf32>,
      %get3A_136 = vector.shape_cast %get3A_135 : vector<16xf32> to vector<16xf32>
      %mul3A_137 = arith.mulf %get3A_129, %get3A_136 : vector<16xf32>
      %add3A_138 = arith.addf %add3A_125, %mul3A_137 : vector<16xf32>
      %get3A_139 = arith.index_cast %scan3A_53 : i32 to index
      %get3A_140 = arith.constant 96 : index
      %get3A_141 = tpu.vector_load %arg10[%get3A_139, %get3A_140] {strides = array<i32>} : memref<32x128xf32, #tpu.memory_space<vmem>>, vector<1x16xf32>,
      %get3A_142 = vector.shape_cast %get3A_141 : vector<1x16xf32> to vector<16xf32>
      %mul3A_143 = arith.constant 128 : i32
      %mul3A_144 = arith.muli %scan3A_53, %mul3A_143 : i32
      %add3A_145 = arith.constant 96 : i32
      %add3A_146 = arith.addi %mul3A_144, %add3A_145 : i32
      %get3A_147 = arith.index_cast %add3A_146 : i32 to index
      %get3A_148 = tpu.vector_load %arg8[%get3A_147] {strides = array<i32>} : memref<4096xf32, #tpu.memory_space<vmem>>, vector<16xf32>,
      %get3A_149 = vector.shape_cast %get3A_148 : vector<16xf32> to vector<16xf32>
      %mul3A_150 = arith.mulf %get3A_142, %get3A_149 : vector<16xf32>
      %add3A_151 = arith.addf %add3A_138, %mul3A_150 : vector<16xf32>
      %get3A_152 = arith.index_cast %scan3A_53 : i32 to index
      %get3A_153 = arith.constant 112 : index
      %get3A_154 = tpu.vector_load %arg10[%get3A_152, %get3A_153] {strides = array<i32>} : memref<32x128xf32, #tpu.memory_space<vmem>>, vector<1x16xf32>,
      %get3A_155 = vector.shape_cast %get3A_154 : vector<1x16xf32> to vector<16xf32>
      %mul3A_156 = arith.constant 128 : i32
      %mul3A_157 = arith.muli %scan3A_53, %mul3A_156 : i32
      %add3A_158 = arith.constant 112 : i32
      %add3A_159 = arith.addi %mul3A_157, %add3A_158 : i32
      %get3A_160 = arith.index_cast %add3A_159 : i32 to index
      %get3A_161 = tpu.vector_load %arg8[%get3A_160] {strides = array<i32>} : memref<4096xf32, #tpu.memory_space<vmem>>, vector<16xf32>,
      %get3A_162 = vector.shape_cast %get3A_161 : vector<16xf32> to vector<16xf32>
      %mul3A_163 = arith.mulf %get3A_155, %get3A_162 : vector<16xf32>
      %add3A_164 = arith.addf %add3A_151, %mul3A_163 : vector<16xf32>
      scf.yield %add3A_164 : vector<16xf32>
    }
    %scan3A_49 = arith.constant 32 : i32
    %swap3A = arith.constant 0 : index
    %swap3A_50 = tpu.vector_load %arg11[%swap3A] {strides = array<i32>} : memref<16xf32, #tpu.memory_space<vmem>>, vector<16xf32>,
    %swap3A_51 = vector.shape_cast %swap3A_50 : vector<16xf32> to vector<16xf32>
    %swap3A_52 = vector.shape_cast %scan3A_48 : vector<16xf32> to vector<16xf32>
    tpu.vector_store %arg11[%swap3A], %swap3A_52 {strides = array<i32>} : memref<16xf32, #tpu.memory_space<vmem>>, vector<16xf32>,
    "tpu.region"() ({
      %run_scoped3A_53 = tpu.sem_alloc : memref<!tpu.dma_semaphore, #tpu.memory_space<semaphore_mem>>
      %dma_start3A = arith.constant 0 : i32
      %dma_start3A_54 = tpu.memref_slice %arg5[%add3A, %dma_start3A] : memref<32x16xf32, #tpu.memory_space<hbm>> -> memref<1x16xf32, #tpu.memory_space<hbm>>
      %dma_start3A_55 = tpu.memref_squeeze %dma_start3A_54 : memref<1x16xf32, #tpu.memory_space<hbm>> -> memref<16xf32, #tpu.memory_space<hbm>>
      %dma_start3A_56 = arith.constant 0 : i32
      %dma_start3A_57 = tpu.memref_slice %arg5[%add3A, %dma_start3A_56] : memref<32x16xf32, #tpu.memory_space<hbm>> -> memref<1x16xf32, #tpu.memory_space<hbm>>
      %dma_start3A_58 = tpu.memref_squeeze %dma_start3A_57 : memref<1x16xf32, #tpu.memory_space<hbm>> -> memref<16xf32, #tpu.memory_space<hbm>>
      tpu.enqueue_dma source(%arg11 : memref<16xf32, #tpu.memory_space<vmem>>) target(%dma_start3A_58 : memref<16xf32, #tpu.memory_space<hbm>>) target_semaphore(%run_scoped3A_53 : memref<!tpu.dma_semaphore, #tpu.memory_space<semaphore_mem>>)
      %dma_wait3A = arith.constant 0 : i32
      %dma_wait3A_59 = tpu.memref_slice %arg5[%add3A, %dma_wait3A] : memref<32x16xf32, #tpu.memory_space<hbm>> -> memref<1x16xf32, #tpu.memory_space<hbm>>
      %dma_wait3A_60 = tpu.memref_squeeze %dma_wait3A_59 : memref<1x16xf32, #tpu.memory_space<hbm>> -> memref<16xf32, #tpu.memory_space<hbm>>
      %dma_wait3A_61 = arith.constant 0 : i32
      %dma_wait3A_62 = tpu.memref_slice %arg5[%add3A, %dma_wait3A_61] : memref<32x16xf32, #tpu.memory_space<hbm>> -> memref<1x16xf32, #tpu.memory_space<hbm>>
      %dma_wait3A_63 = tpu.memref_squeeze %dma_wait3A_62 : memref<1x16xf32, #tpu.memory_space<hbm>> -> memref<16xf32, #tpu.memory_space<hbm>>
      tpu.wait_dma2 semaphore(%run_scoped3A_53 : memref<!tpu.dma_semaphore, #tpu.memory_space<semaphore_mem>>) src(%arg11 : memref<16xf32, #tpu.memory_space<vmem>>) dst(%dma_wait3A_63 : memref<16xf32, #tpu.memory_space<hbm>>)
      tpu.yield
    }) : () -> ()
    return
  }
}

#map = affine_map<(d0, d1) -> (0, 0, 0)>
#map1 = affine_map<(d0, d1) -> (0, 0)>
#map2 = affine_map<(d0, d1) -> (0)>
module attributes {stable_mosaic.version = 14 : i64} {
  func.func @_sc_gather(%arg0: i32, %arg1: i32, %arg2: memref<16x2x16384xi32, #tpu.memory_space<hbm>>, %arg3: memref<16x16384xf32, #tpu.memory_space<hbm>>, %arg4: memref<8388608xf32, #tpu.memory_space<hbm>>, %arg5: memref<32x16xf32, #tpu.memory_space<hbm>>, %arg6: memref<4096xi32, #tpu.memory_space<vmem>>, %arg7: memref<4096xi32, #tpu.memory_space<vmem>>, %arg8: memref<4096xf32, #tpu.memory_space<vmem>>, %arg9: memref<32x128xi32, #tpu.memory_space<vmem>>, %arg10: memref<32x128xf32, #tpu.memory_space<vmem>>, %arg11: memref<16xf32, #tpu.memory_space<vmem>>, %arg12: memref<!tpu.dma_semaphore, #tpu.memory_space<semaphore_mem>>) attributes {dimension_semantics = [#tpu.dimension_semantics<core_parallel>, #tpu.dimension_semantics<subcore_parallel>], iteration_bounds = array<i64: 2, 16>, scalar_prefetch = 0 : i64, scratch_operands = 7 : i64, tpu.core_type = #tpu.core_type<sc_vector_subcore>, window_params = [{transform_indices = #map}, {transform_indices = #map1}, {transform_indices = #map2}, {transform_indices = #map1}]} {
    %mul3A = arith.constant 2 : i32
    %mul3A_0 = arith.muli %arg1, %mul3A : i32
    %add3A = arith.addi %mul3A_0, %arg0 : i32
    %jit3A = arith.constant 4 : i32
    %div3A = arith.divsi %add3A, %jit3A : i32
    %sign3A = arith.constant 0 : i32
    %sign3A_1 = arith.cmpi sgt, %add3A, %sign3A : i32
    %sign3A_2 = arith.extui %sign3A_1 : i1 to i32
    %sign3A_3 = arith.constant 0 : i32
    %sign3A_4 = arith.cmpi slt, %add3A, %sign3A_3 : i32
    %sign3A_5 = arith.extui %sign3A_4 : i1 to i32
    %sign3A_6 = arith.subi %sign3A_2, %sign3A_5 : i32
    %sign3A_7 = arith.constant 0 : i32
    %sign3A_8 = arith.cmpi sgt, %jit3A, %sign3A_7 : i32
    %sign3A_9 = arith.extui %sign3A_8 : i1 to i32
    %sign3A_10 = arith.constant 0 : i32
    %sign3A_11 = arith.cmpi slt, %jit3A, %sign3A_10 : i32
    %sign3A_12 = arith.extui %sign3A_11 : i1 to i32
    %sign3A_13 = arith.subi %sign3A_9, %sign3A_12 : i32
    %ne3A = arith.cmpi ne, %sign3A_6, %sign3A_13 : i32
    %rem3A = arith.remsi %add3A, %jit3A : i32
    %ne3A_14 = arith.constant 0 : i32
    %ne3A_15 = arith.cmpi ne, %rem3A, %ne3A_14 : i32
    %and3A = arith.andi %ne3A, %ne3A_15 : i1
    %sub3A = arith.constant 1 : i32
    %sub3A_16 = arith.subi %div3A, %sub3A : i32
    %select_n3A = arith.select %and3A, %sub3A_16, %div3A : i32
    %jit3A_17 = arith.constant 4 : i32
    %eq3A = arith.constant 0 : i32
    %eq3A_18 = arith.cmpi eq, %jit3A_17, %eq3A : i32
    %jit3A_19 = arith.constant 1 : i32
    %select_n3A_20 = arith.select %eq3A_18, %jit3A_19, %jit3A_17 : i32
    %rem3A_21 = arith.remsi %add3A, %select_n3A_20 : i32
    %ne3A_22 = arith.constant 0 : i32
    %ne3A_23 = arith.cmpi ne, %rem3A_21, %ne3A_22 : i32
    %lt3A = arith.constant 0 : i32
    %lt3A_24 = arith.cmpi slt, %rem3A_21, %lt3A : i32
    %lt3A_25 = arith.constant 0 : i32
    %lt3A_26 = arith.cmpi slt, %select_n3A_20, %lt3A_25 : i32
    %ne3A_27 = arith.xori %lt3A_24, %lt3A_26 : i1
    %and3A_28 = arith.andi %ne3A_27, %ne3A_23 : i1
    %add3A_29 = arith.addi %rem3A_21, %select_n3A_20 : i32
    %select_n3A_30 = arith.select %and3A_28, %add3A_29, %rem3A_21 : i32
    %mul3A_31 = arith.constant 4096 : i32
    %mul3A_32 = arith.muli %select_n3A_30, %mul3A_31 : i32
    %add3A_33 = arith.constant 8 : i32
    %add3A_34 = arith.addi %add3A_33, %select_n3A : i32
    %run_scoped3A = arith.constant 0 : i32
    "tpu.region"() ({
      %run_scoped3A_53 = tpu.sem_alloc : memref<!tpu.dma_semaphore, #tpu.memory_space<semaphore_mem>>
      %dma_start3A = tpu.memref_slice %arg2[%add3A_34, %run_scoped3A, %mul3A_32] : memref<16x2x16384xi32, #tpu.memory_space<hbm>> -> memref<1x1x4096xi32, #tpu.memory_space<hbm>>
      %dma_start3A_54 = tpu.memref_squeeze %dma_start3A : memref<1x1x4096xi32, #tpu.memory_space<hbm>> -> memref<4096xi32, #tpu.memory_space<hbm>>
      %dma_start3A_55 = tpu.memref_slice %arg2[%add3A_34, %run_scoped3A, %mul3A_32] : memref<16x2x16384xi32, #tpu.memory_space<hbm>> -> memref<1x1x4096xi32, #tpu.memory_space<hbm>>
      %dma_start3A_56 = tpu.memref_squeeze %dma_start3A_55 : memref<1x1x4096xi32, #tpu.memory_space<hbm>> -> memref<4096xi32, #tpu.memory_space<hbm>>
      tpu.enqueue_dma source(%dma_start3A_56 : memref<4096xi32, #tpu.memory_space<hbm>>) target(%arg6 : memref<4096xi32, #tpu.memory_space<vmem>>) target_semaphore(%run_scoped3A_53 : memref<!tpu.dma_semaphore, #tpu.memory_space<semaphore_mem>>)
      %dma_wait3A = tpu.memref_slice %arg2[%add3A_34, %run_scoped3A, %mul3A_32] : memref<16x2x16384xi32, #tpu.memory_space<hbm>> -> memref<1x1x4096xi32, #tpu.memory_space<hbm>>
      %dma_wait3A_57 = tpu.memref_squeeze %dma_wait3A : memref<1x1x4096xi32, #tpu.memory_space<hbm>> -> memref<4096xi32, #tpu.memory_space<hbm>>
      %dma_wait3A_58 = tpu.memref_slice %arg2[%add3A_34, %run_scoped3A, %mul3A_32] : memref<16x2x16384xi32, #tpu.memory_space<hbm>> -> memref<1x1x4096xi32, #tpu.memory_space<hbm>>
      %dma_wait3A_59 = tpu.memref_squeeze %dma_wait3A_58 : memref<1x1x4096xi32, #tpu.memory_space<hbm>> -> memref<4096xi32, #tpu.memory_space<hbm>>
      tpu.wait_dma2 semaphore(%run_scoped3A_53 : memref<!tpu.dma_semaphore, #tpu.memory_space<semaphore_mem>>) src(%dma_wait3A_59 : memref<4096xi32, #tpu.memory_space<hbm>>) dst(%arg6 : memref<4096xi32, #tpu.memory_space<vmem>>)
      tpu.yield
    }) : () -> ()
    %run_scoped3A_35 = arith.constant 1 : i32
    "tpu.region"() ({
      %run_scoped3A_53 = tpu.sem_alloc : memref<!tpu.dma_semaphore, #tpu.memory_space<semaphore_mem>>
      %dma_start3A = tpu.memref_slice %arg2[%add3A_34, %run_scoped3A_35, %mul3A_32] : memref<16x2x16384xi32, #tpu.memory_space<hbm>> -> memref<1x1x4096xi32, #tpu.memory_space<hbm>>
      %dma_start3A_54 = tpu.memref_squeeze %dma_start3A : memref<1x1x4096xi32, #tpu.memory_space<hbm>> -> memref<4096xi32, #tpu.memory_space<hbm>>
      %dma_start3A_55 = tpu.memref_slice %arg2[%add3A_34, %run_scoped3A_35, %mul3A_32] : memref<16x2x16384xi32, #tpu.memory_space<hbm>> -> memref<1x1x4096xi32, #tpu.memory_space<hbm>>
      %dma_start3A_56 = tpu.memref_squeeze %dma_start3A_55 : memref<1x1x4096xi32, #tpu.memory_space<hbm>> -> memref<4096xi32, #tpu.memory_space<hbm>>
      tpu.enqueue_dma source(%dma_start3A_56 : memref<4096xi32, #tpu.memory_space<hbm>>) target(%arg7 : memref<4096xi32, #tpu.memory_space<vmem>>) target_semaphore(%run_scoped3A_53 : memref<!tpu.dma_semaphore, #tpu.memory_space<semaphore_mem>>)
      %dma_wait3A = tpu.memref_slice %arg2[%add3A_34, %run_scoped3A_35, %mul3A_32] : memref<16x2x16384xi32, #tpu.memory_space<hbm>> -> memref<1x1x4096xi32, #tpu.memory_space<hbm>>
      %dma_wait3A_57 = tpu.memref_squeeze %dma_wait3A : memref<1x1x4096xi32, #tpu.memory_space<hbm>> -> memref<4096xi32, #tpu.memory_space<hbm>>
      %dma_wait3A_58 = tpu.memref_slice %arg2[%add3A_34, %run_scoped3A_35, %mul3A_32] : memref<16x2x16384xi32, #tpu.memory_space<hbm>> -> memref<1x1x4096xi32, #tpu.memory_space<hbm>>
      %dma_wait3A_59 = tpu.memref_squeeze %dma_wait3A_58 : memref<1x1x4096xi32, #tpu.memory_space<hbm>> -> memref<4096xi32, #tpu.memory_space<hbm>>
      tpu.wait_dma2 semaphore(%run_scoped3A_53 : memref<!tpu.dma_semaphore, #tpu.memory_space<semaphore_mem>>) src(%dma_wait3A_59 : memref<4096xi32, #tpu.memory_space<hbm>>) dst(%arg7 : memref<4096xi32, #tpu.memory_space<vmem>>)
      tpu.yield
    }) : () -> ()
    "tpu.region"() ({
      %run_scoped3A_53 = tpu.sem_alloc : memref<!tpu.dma_semaphore, #tpu.memory_space<semaphore_mem>>
      %dma_start3A = tpu.memref_slice %arg3[%add3A_34, %mul3A_32] : memref<16x16384xf32, #tpu.memory_space<hbm>> -> memref<1x4096xf32, #tpu.memory_space<hbm>>
      %dma_start3A_54 = tpu.memref_squeeze %dma_start3A : memref<1x4096xf32, #tpu.memory_space<hbm>> -> memref<4096xf32, #tpu.memory_space<hbm>>
      %dma_start3A_55 = tpu.memref_slice %arg3[%add3A_34, %mul3A_32] : memref<16x16384xf32, #tpu.memory_space<hbm>> -> memref<1x4096xf32, #tpu.memory_space<hbm>>
      %dma_start3A_56 = tpu.memref_squeeze %dma_start3A_55 : memref<1x4096xf32, #tpu.memory_space<hbm>> -> memref<4096xf32, #tpu.memory_space<hbm>>
      tpu.enqueue_dma source(%dma_start3A_56 : memref<4096xf32, #tpu.memory_space<hbm>>) target(%arg8 : memref<4096xf32, #tpu.memory_space<vmem>>) target_semaphore(%run_scoped3A_53 : memref<!tpu.dma_semaphore, #tpu.memory_space<semaphore_mem>>)
      %dma_wait3A = tpu.memref_slice %arg3[%add3A_34, %mul3A_32] : memref<16x16384xf32, #tpu.memory_space<hbm>> -> memref<1x4096xf32, #tpu.memory_space<hbm>>
      %dma_wait3A_57 = tpu.memref_squeeze %dma_wait3A : memref<1x4096xf32, #tpu.memory_space<hbm>> -> memref<4096xf32, #tpu.memory_space<hbm>>
      %dma_wait3A_58 = tpu.memref_slice %arg3[%add3A_34, %mul3A_32] : memref<16x16384xf32, #tpu.memory_space<hbm>> -> memref<1x4096xf32, #tpu.memory_space<hbm>>
      %dma_wait3A_59 = tpu.memref_squeeze %dma_wait3A_58 : memref<1x4096xf32, #tpu.memory_space<hbm>> -> memref<4096xf32, #tpu.memory_space<hbm>>
      tpu.wait_dma2 semaphore(%run_scoped3A_53 : memref<!tpu.dma_semaphore, #tpu.memory_space<semaphore_mem>>) src(%dma_wait3A_59 : memref<4096xf32, #tpu.memory_space<hbm>>) dst(%arg8 : memref<4096xf32, #tpu.memory_space<vmem>>)
      tpu.yield
    }) : () -> ()
    %mul3A_36 = arith.constant 1048576 : i32
    %mul3A_37 = arith.muli %select_n3A, %mul3A_36 : i32
    %scan3A = arith.constant 0 : i32
    %scan3A_38 = arith.constant 0 : i32
    %scan3A_39 = arith.constant 32 : i32
    %scan3A_40 = arith.addi %scan3A_38, %scan3A_39 : i32
    %scan3A_41 = arith.constant 1 : i32
    scf.for %scan3A_53 = %scan3A_38 to %scan3A_40 step %scan3A_41  : i32 {
      %mul3A_54 = arith.constant 128 : i32
      %mul3A_55 = arith.muli %scan3A_53, %mul3A_54 : i32
      %add3A_56 = arith.constant 0 : i32
      %add3A_57 = arith.addi %mul3A_55, %add3A_56 : i32
      %get3A = arith.index_cast %add3A_57 : i32 to index
      %get3A_58 = tpu.vector_load %arg6[%get3A] {strides = array<i32>} : memref<4096xi32, #tpu.memory_space<vmem>>, vector<16xi32>,
      %get3A_59 = vector.shape_cast %get3A_58 : vector<16xi32> to vector<16xi32>
      %mul3A_60 = arith.constant 128 : i32
      %mul3A_61 = arith.muli %scan3A_53, %mul3A_60 : i32
      %add3A_62 = arith.constant 0 : i32
      %add3A_63 = arith.addi %mul3A_61, %add3A_62 : i32
      %get3A_64 = arith.index_cast %add3A_63 : i32 to index
      %get3A_65 = tpu.vector_load %arg7[%get3A_64] {strides = array<i32>} : memref<4096xi32, #tpu.memory_space<vmem>>, vector<16xi32>,
      %get3A_66 = vector.shape_cast %get3A_65 : vector<16xi32> to vector<16xi32>
      %shift_right_arithmetic3A = arith.constant 7 : i32
      %shift_right_arithmetic3A_67 = vector.broadcast %shift_right_arithmetic3A : i32 to vector<16xi32>
      %shift_right_arithmetic3A_68 = arith.shrsi %get3A_66, %shift_right_arithmetic3A_67 : vector<16xi32>
      %shift_left3A = arith.constant 17 : i32
      %shift_left3A_69 = vector.broadcast %shift_left3A : i32 to vector<16xi32>
      %shift_left3A_70 = arith.shli %shift_right_arithmetic3A_68, %shift_left3A_69 : vector<16xi32>
      %add3A_71 = vector.broadcast %mul3A_37 : i32 to vector<16xi32>
      %add3A_72 = arith.addi %add3A_71, %shift_left3A_70 : vector<16xi32>
      %shift_left3A_73 = arith.constant 7 : i32
      %shift_left3A_74 = vector.broadcast %shift_left3A_73 : i32 to vector<16xi32>
      %shift_left3A_75 = arith.shli %get3A_59, %shift_left3A_74 : vector<16xi32>
      %add3A_76 = arith.addi %add3A_72, %shift_left3A_75 : vector<16xi32>
      %and3A_77 = arith.constant 127 : i32
      %and3A_78 = vector.broadcast %and3A_77 : i32 to vector<16xi32>
      %and3A_79 = arith.andi %get3A_66, %and3A_78 : vector<16xi32>
      %add3A_80 = arith.addi %add3A_76, %and3A_79 : vector<16xi32>
      %swap3A_81 = arith.index_cast %scan3A_53 : i32 to index
      %swap3A_82 = arith.constant 0 : index
      %swap3A_83 = tpu.vector_load %arg9[%swap3A_81, %swap3A_82] {strides = array<i32>} : memref<32x128xi32, #tpu.memory_space<vmem>>, vector<1x16xi32>,
      %swap3A_84 = vector.shape_cast %swap3A_83 : vector<1x16xi32> to vector<16xi32>
      %swap3A_85 = vector.shape_cast %add3A_80 : vector<16xi32> to vector<1x16xi32>
      tpu.vector_store %arg9[%swap3A_81, %swap3A_82], %swap3A_85 {strides = array<i32>} : memref<32x128xi32, #tpu.memory_space<vmem>>, vector<1x16xi32>,
      %mul3A_86 = arith.constant 128 : i32
      %mul3A_87 = arith.muli %scan3A_53, %mul3A_86 : i32
      %add3A_88 = arith.constant 16 : i32
      %add3A_89 = arith.addi %mul3A_87, %add3A_88 : i32
      %get3A_90 = arith.index_cast %add3A_89 : i32 to index
      %get3A_91 = tpu.vector_load %arg6[%get3A_90] {strides = array<i32>} : memref<4096xi32, #tpu.memory_space<vmem>>, vector<16xi32>,
      %get3A_92 = vector.shape_cast %get3A_91 : vector<16xi32> to vector<16xi32>
      %mul3A_93 = arith.constant 128 : i32
      %mul3A_94 = arith.muli %scan3A_53, %mul3A_93 : i32
      %add3A_95 = arith.constant 16 : i32
      %add3A_96 = arith.addi %mul3A_94, %add3A_95 : i32
      %get3A_97 = arith.index_cast %add3A_96 : i32 to index
      %get3A_98 = tpu.vector_load %arg7[%get3A_97] {strides = array<i32>} : memref<4096xi32, #tpu.memory_space<vmem>>, vector<16xi32>,
      %get3A_99 = vector.shape_cast %get3A_98 : vector<16xi32> to vector<16xi32>
      %shift_right_arithmetic3A_100 = arith.constant 7 : i32
      %shift_right_arithmetic3A_101 = vector.broadcast %shift_right_arithmetic3A_100 : i32 to vector<16xi32>
      %shift_right_arithmetic3A_102 = arith.shrsi %get3A_99, %shift_right_arithmetic3A_101 : vector<16xi32>
      %shift_left3A_103 = arith.constant 17 : i32
      %shift_left3A_104 = vector.broadcast %shift_left3A_103 : i32 to vector<16xi32>
      %shift_left3A_105 = arith.shli %shift_right_arithmetic3A_102, %shift_left3A_104 : vector<16xi32>
      %add3A_106 = vector.broadcast %mul3A_37 : i32 to vector<16xi32>
      %add3A_107 = arith.addi %add3A_106, %shift_left3A_105 : vector<16xi32>
      %shift_left3A_108 = arith.constant 7 : i32
      %shift_left3A_109 = vector.broadcast %shift_left3A_108 : i32 to vector<16xi32>
      %shift_left3A_110 = arith.shli %get3A_92, %shift_left3A_109 : vector<16xi32>
      %add3A_111 = arith.addi %add3A_107, %shift_left3A_110 : vector<16xi32>
      %and3A_112 = arith.constant 127 : i32
      %and3A_113 = vector.broadcast %and3A_112 : i32 to vector<16xi32>
      %and3A_114 = arith.andi %get3A_99, %and3A_113 : vector<16xi32>
      %add3A_115 = arith.addi %add3A_111, %and3A_114 : vector<16xi32>
      %swap3A_116 = arith.index_cast %scan3A_53 : i32 to index
      %swap3A_117 = arith.constant 16 : index
      %swap3A_118 = tpu.vector_load %arg9[%swap3A_116, %swap3A_117] {strides = array<i32>} : memref<32x128xi32, #tpu.memory_space<vmem>>, vector<1x16xi32>,
      %swap3A_119 = vector.shape_cast %swap3A_118 : vector<1x16xi32> to vector<16xi32>
      %swap3A_120 = vector.shape_cast %add3A_115 : vector<16xi32> to vector<1x16xi32>
      tpu.vector_store %arg9[%swap3A_116, %swap3A_117], %swap3A_120 {strides = array<i32>} : memref<32x128xi32, #tpu.memory_space<vmem>>, vector<1x16xi32>,
      %mul3A_121 = arith.constant 128 : i32
      %mul3A_122 = arith.muli %scan3A_53, %mul3A_121 : i32
      %add3A_123 = arith.constant 32 : i32
      %add3A_124 = arith.addi %mul3A_122, %add3A_123 : i32
      %get3A_125 = arith.index_cast %add3A_124 : i32 to index
      %get3A_126 = tpu.vector_load %arg6[%get3A_125] {strides = array<i32>} : memref<4096xi32, #tpu.memory_space<vmem>>, vector<16xi32>,
      %get3A_127 = vector.shape_cast %get3A_126 : vector<16xi32> to vector<16xi32>
      %mul3A_128 = arith.constant 128 : i32
      %mul3A_129 = arith.muli %scan3A_53, %mul3A_128 : i32
      %add3A_130 = arith.constant 32 : i32
      %add3A_131 = arith.addi %mul3A_129, %add3A_130 : i32
      %get3A_132 = arith.index_cast %add3A_131 : i32 to index
      %get3A_133 = tpu.vector_load %arg7[%get3A_132] {strides = array<i32>} : memref<4096xi32, #tpu.memory_space<vmem>>, vector<16xi32>,
      %get3A_134 = vector.shape_cast %get3A_133 : vector<16xi32> to vector<16xi32>
      %shift_right_arithmetic3A_135 = arith.constant 7 : i32
      %shift_right_arithmetic3A_136 = vector.broadcast %shift_right_arithmetic3A_135 : i32 to vector<16xi32>
      %shift_right_arithmetic3A_137 = arith.shrsi %get3A_134, %shift_right_arithmetic3A_136 : vector<16xi32>
      %shift_left3A_138 = arith.constant 17 : i32
      %shift_left3A_139 = vector.broadcast %shift_left3A_138 : i32 to vector<16xi32>
      %shift_left3A_140 = arith.shli %shift_right_arithmetic3A_137, %shift_left3A_139 : vector<16xi32>
      %add3A_141 = vector.broadcast %mul3A_37 : i32 to vector<16xi32>
      %add3A_142 = arith.addi %add3A_141, %shift_left3A_140 : vector<16xi32>
      %shift_left3A_143 = arith.constant 7 : i32
      %shift_left3A_144 = vector.broadcast %shift_left3A_143 : i32 to vector<16xi32>
      %shift_left3A_145 = arith.shli %get3A_127, %shift_left3A_144 : vector<16xi32>
      %add3A_146 = arith.addi %add3A_142, %shift_left3A_145 : vector<16xi32>
      %and3A_147 = arith.constant 127 : i32
      %and3A_148 = vector.broadcast %and3A_147 : i32 to vector<16xi32>
      %and3A_149 = arith.andi %get3A_134, %and3A_148 : vector<16xi32>
      %add3A_150 = arith.addi %add3A_146, %and3A_149 : vector<16xi32>
      %swap3A_151 = arith.index_cast %scan3A_53 : i32 to index
      %swap3A_152 = arith.constant 32 : index
      %swap3A_153 = tpu.vector_load %arg9[%swap3A_151, %swap3A_152] {strides = array<i32>} : memref<32x128xi32, #tpu.memory_space<vmem>>, vector<1x16xi32>,
      %swap3A_154 = vector.shape_cast %swap3A_153 : vector<1x16xi32> to vector<16xi32>
      %swap3A_155 = vector.shape_cast %add3A_150 : vector<16xi32> to vector<1x16xi32>
      tpu.vector_store %arg9[%swap3A_151, %swap3A_152], %swap3A_155 {strides = array<i32>} : memref<32x128xi32, #tpu.memory_space<vmem>>, vector<1x16xi32>,
      %mul3A_156 = arith.constant 128 : i32
      %mul3A_157 = arith.muli %scan3A_53, %mul3A_156 : i32
      %add3A_158 = arith.constant 48 : i32
      %add3A_159 = arith.addi %mul3A_157, %add3A_158 : i32
      %get3A_160 = arith.index_cast %add3A_159 : i32 to index
      %get3A_161 = tpu.vector_load %arg6[%get3A_160] {strides = array<i32>} : memref<4096xi32, #tpu.memory_space<vmem>>, vector<16xi32>,
      %get3A_162 = vector.shape_cast %get3A_161 : vector<16xi32> to vector<16xi32>
      %mul3A_163 = arith.constant 128 : i32
      %mul3A_164 = arith.muli %scan3A_53, %mul3A_163 : i32
      %add3A_165 = arith.constant 48 : i32
      %add3A_166 = arith.addi %mul3A_164, %add3A_165 : i32
      %get3A_167 = arith.index_cast %add3A_166 : i32 to index
      %get3A_168 = tpu.vector_load %arg7[%get3A_167] {strides = array<i32>} : memref<4096xi32, #tpu.memory_space<vmem>>, vector<16xi32>,
      %get3A_169 = vector.shape_cast %get3A_168 : vector<16xi32> to vector<16xi32>
      %shift_right_arithmetic3A_170 = arith.constant 7 : i32
      %shift_right_arithmetic3A_171 = vector.broadcast %shift_right_arithmetic3A_170 : i32 to vector<16xi32>
      %shift_right_arithmetic3A_172 = arith.shrsi %get3A_169, %shift_right_arithmetic3A_171 : vector<16xi32>
      %shift_left3A_173 = arith.constant 17 : i32
      %shift_left3A_174 = vector.broadcast %shift_left3A_173 : i32 to vector<16xi32>
      %shift_left3A_175 = arith.shli %shift_right_arithmetic3A_172, %shift_left3A_174 : vector<16xi32>
      %add3A_176 = vector.broadcast %mul3A_37 : i32 to vector<16xi32>
      %add3A_177 = arith.addi %add3A_176, %shift_left3A_175 : vector<16xi32>
      %shift_left3A_178 = arith.constant 7 : i32
      %shift_left3A_179 = vector.broadcast %shift_left3A_178 : i32 to vector<16xi32>
      %shift_left3A_180 = arith.shli %get3A_162, %shift_left3A_179 : vector<16xi32>
      %add3A_181 = arith.addi %add3A_177, %shift_left3A_180 : vector<16xi32>
      %and3A_182 = arith.constant 127 : i32
      %and3A_183 = vector.broadcast %and3A_182 : i32 to vector<16xi32>
      %and3A_184 = arith.andi %get3A_169, %and3A_183 : vector<16xi32>
      %add3A_185 = arith.addi %add3A_181, %and3A_184 : vector<16xi32>
      %swap3A_186 = arith.index_cast %scan3A_53 : i32 to index
      %swap3A_187 = arith.constant 48 : index
      %swap3A_188 = tpu.vector_load %arg9[%swap3A_186, %swap3A_187] {strides = array<i32>} : memref<32x128xi32, #tpu.memory_space<vmem>>, vector<1x16xi32>,
      %swap3A_189 = vector.shape_cast %swap3A_188 : vector<1x16xi32> to vector<16xi32>
      %swap3A_190 = vector.shape_cast %add3A_185 : vector<16xi32> to vector<1x16xi32>
      tpu.vector_store %arg9[%swap3A_186, %swap3A_187], %swap3A_190 {strides = array<i32>} : memref<32x128xi32, #tpu.memory_space<vmem>>, vector<1x16xi32>,
      %mul3A_191 = arith.constant 128 : i32
      %mul3A_192 = arith.muli %scan3A_53, %mul3A_191 : i32
      %add3A_193 = arith.constant 64 : i32
      %add3A_194 = arith.addi %mul3A_192, %add3A_193 : i32
      %get3A_195 = arith.index_cast %add3A_194 : i32 to index
      %get3A_196 = tpu.vector_load %arg6[%get3A_195] {strides = array<i32>} : memref<4096xi32, #tpu.memory_space<vmem>>, vector<16xi32>,
      %get3A_197 = vector.shape_cast %get3A_196 : vector<16xi32> to vector<16xi32>
      %mul3A_198 = arith.constant 128 : i32
      %mul3A_199 = arith.muli %scan3A_53, %mul3A_198 : i32
      %add3A_200 = arith.constant 64 : i32
      %add3A_201 = arith.addi %mul3A_199, %add3A_200 : i32
      %get3A_202 = arith.index_cast %add3A_201 : i32 to index
      %get3A_203 = tpu.vector_load %arg7[%get3A_202] {strides = array<i32>} : memref<4096xi32, #tpu.memory_space<vmem>>, vector<16xi32>,
      %get3A_204 = vector.shape_cast %get3A_203 : vector<16xi32> to vector<16xi32>
      %shift_right_arithmetic3A_205 = arith.constant 7 : i32
      %shift_right_arithmetic3A_206 = vector.broadcast %shift_right_arithmetic3A_205 : i32 to vector<16xi32>
      %shift_right_arithmetic3A_207 = arith.shrsi %get3A_204, %shift_right_arithmetic3A_206 : vector<16xi32>
      %shift_left3A_208 = arith.constant 17 : i32
      %shift_left3A_209 = vector.broadcast %shift_left3A_208 : i32 to vector<16xi32>
      %shift_left3A_210 = arith.shli %shift_right_arithmetic3A_207, %shift_left3A_209 : vector<16xi32>
      %add3A_211 = vector.broadcast %mul3A_37 : i32 to vector<16xi32>
      %add3A_212 = arith.addi %add3A_211, %shift_left3A_210 : vector<16xi32>
      %shift_left3A_213 = arith.constant 7 : i32
      %shift_left3A_214 = vector.broadcast %shift_left3A_213 : i32 to vector<16xi32>
      %shift_left3A_215 = arith.shli %get3A_197, %shift_left3A_214 : vector<16xi32>
      %add3A_216 = arith.addi %add3A_212, %shift_left3A_215 : vector<16xi32>
      %and3A_217 = arith.constant 127 : i32
      %and3A_218 = vector.broadcast %and3A_217 : i32 to vector<16xi32>
      %and3A_219 = arith.andi %get3A_204, %and3A_218 : vector<16xi32>
      %add3A_220 = arith.addi %add3A_216, %and3A_219 : vector<16xi32>
      %swap3A_221 = arith.index_cast %scan3A_53 : i32 to index
      %swap3A_222 = arith.constant 64 : index
      %swap3A_223 = tpu.vector_load %arg9[%swap3A_221, %swap3A_222] {strides = array<i32>} : memref<32x128xi32, #tpu.memory_space<vmem>>, vector<1x16xi32>,
      %swap3A_224 = vector.shape_cast %swap3A_223 : vector<1x16xi32> to vector<16xi32>
      %swap3A_225 = vector.shape_cast %add3A_220 : vector<16xi32> to vector<1x16xi32>
      tpu.vector_store %arg9[%swap3A_221, %swap3A_222], %swap3A_225 {strides = array<i32>} : memref<32x128xi32, #tpu.memory_space<vmem>>, vector<1x16xi32>,
      %mul3A_226 = arith.constant 128 : i32
      %mul3A_227 = arith.muli %scan3A_53, %mul3A_226 : i32
      %add3A_228 = arith.constant 80 : i32
      %add3A_229 = arith.addi %mul3A_227, %add3A_228 : i32
      %get3A_230 = arith.index_cast %add3A_229 : i32 to index
      %get3A_231 = tpu.vector_load %arg6[%get3A_230] {strides = array<i32>} : memref<4096xi32, #tpu.memory_space<vmem>>, vector<16xi32>,
      %get3A_232 = vector.shape_cast %get3A_231 : vector<16xi32> to vector<16xi32>
      %mul3A_233 = arith.constant 128 : i32
      %mul3A_234 = arith.muli %scan3A_53, %mul3A_233 : i32
      %add3A_235 = arith.constant 80 : i32
      %add3A_236 = arith.addi %mul3A_234, %add3A_235 : i32
      %get3A_237 = arith.index_cast %add3A_236 : i32 to index
      %get3A_238 = tpu.vector_load %arg7[%get3A_237] {strides = array<i32>} : memref<4096xi32, #tpu.memory_space<vmem>>, vector<16xi32>,
      %get3A_239 = vector.shape_cast %get3A_238 : vector<16xi32> to vector<16xi32>
      %shift_right_arithmetic3A_240 = arith.constant 7 : i32
      %shift_right_arithmetic3A_241 = vector.broadcast %shift_right_arithmetic3A_240 : i32 to vector<16xi32>
      %shift_right_arithmetic3A_242 = arith.shrsi %get3A_239, %shift_right_arithmetic3A_241 : vector<16xi32>
      %shift_left3A_243 = arith.constant 17 : i32
      %shift_left3A_244 = vector.broadcast %shift_left3A_243 : i32 to vector<16xi32>
      %shift_left3A_245 = arith.shli %shift_right_arithmetic3A_242, %shift_left3A_244 : vector<16xi32>
      %add3A_246 = vector.broadcast %mul3A_37 : i32 to vector<16xi32>
      %add3A_247 = arith.addi %add3A_246, %shift_left3A_245 : vector<16xi32>
      %shift_left3A_248 = arith.constant 7 : i32
      %shift_left3A_249 = vector.broadcast %shift_left3A_248 : i32 to vector<16xi32>
      %shift_left3A_250 = arith.shli %get3A_232, %shift_left3A_249 : vector<16xi32>
      %add3A_251 = arith.addi %add3A_247, %shift_left3A_250 : vector<16xi32>
      %and3A_252 = arith.constant 127 : i32
      %and3A_253 = vector.broadcast %and3A_252 : i32 to vector<16xi32>
      %and3A_254 = arith.andi %get3A_239, %and3A_253 : vector<16xi32>
      %add3A_255 = arith.addi %add3A_251, %and3A_254 : vector<16xi32>
      %swap3A_256 = arith.index_cast %scan3A_53 : i32 to index
      %swap3A_257 = arith.constant 80 : index
      %swap3A_258 = tpu.vector_load %arg9[%swap3A_256, %swap3A_257] {strides = array<i32>} : memref<32x128xi32, #tpu.memory_space<vmem>>, vector<1x16xi32>,
      %swap3A_259 = vector.shape_cast %swap3A_258 : vector<1x16xi32> to vector<16xi32>
      %swap3A_260 = vector.shape_cast %add3A_255 : vector<16xi32> to vector<1x16xi32>
      tpu.vector_store %arg9[%swap3A_256, %swap3A_257], %swap3A_260 {strides = array<i32>} : memref<32x128xi32, #tpu.memory_space<vmem>>, vector<1x16xi32>,
      %mul3A_261 = arith.constant 128 : i32
      %mul3A_262 = arith.muli %scan3A_53, %mul3A_261 : i32
      %add3A_263 = arith.constant 96 : i32
      %add3A_264 = arith.addi %mul3A_262, %add3A_263 : i32
      %get3A_265 = arith.index_cast %add3A_264 : i32 to index
      %get3A_266 = tpu.vector_load %arg6[%get3A_265] {strides = array<i32>} : memref<4096xi32, #tpu.memory_space<vmem>>, vector<16xi32>,
      %get3A_267 = vector.shape_cast %get3A_266 : vector<16xi32> to vector<16xi32>
      %mul3A_268 = arith.constant 128 : i32
      %mul3A_269 = arith.muli %scan3A_53, %mul3A_268 : i32
      %add3A_270 = arith.constant 96 : i32
      %add3A_271 = arith.addi %mul3A_269, %add3A_270 : i32
      %get3A_272 = arith.index_cast %add3A_271 : i32 to index
      %get3A_273 = tpu.vector_load %arg7[%get3A_272] {strides = array<i32>} : memref<4096xi32, #tpu.memory_space<vmem>>, vector<16xi32>,
      %get3A_274 = vector.shape_cast %get3A_273 : vector<16xi32> to vector<16xi32>
      %shift_right_arithmetic3A_275 = arith.constant 7 : i32
      %shift_right_arithmetic3A_276 = vector.broadcast %shift_right_arithmetic3A_275 : i32 to vector<16xi32>
      %shift_right_arithmetic3A_277 = arith.shrsi %get3A_274, %shift_right_arithmetic3A_276 : vector<16xi32>
      %shift_left3A_278 = arith.constant 17 : i32
      %shift_left3A_279 = vector.broadcast %shift_left3A_278 : i32 to vector<16xi32>
      %shift_left3A_280 = arith.shli %shift_right_arithmetic3A_277, %shift_left3A_279 : vector<16xi32>
      %add3A_281 = vector.broadcast %mul3A_37 : i32 to vector<16xi32>
      %add3A_282 = arith.addi %add3A_281, %shift_left3A_280 : vector<16xi32>
      %shift_left3A_283 = arith.constant 7 : i32
      %shift_left3A_284 = vector.broadcast %shift_left3A_283 : i32 to vector<16xi32>
      %shift_left3A_285 = arith.shli %get3A_267, %shift_left3A_284 : vector<16xi32>
      %add3A_286 = arith.addi %add3A_282, %shift_left3A_285 : vector<16xi32>
      %and3A_287 = arith.constant 127 : i32
      %and3A_288 = vector.broadcast %and3A_287 : i32 to vector<16xi32>
      %and3A_289 = arith.andi %get3A_274, %and3A_288 : vector<16xi32>
      %add3A_290 = arith.addi %add3A_286, %and3A_289 : vector<16xi32>
      %swap3A_291 = arith.index_cast %scan3A_53 : i32 to index
      %swap3A_292 = arith.constant 96 : index
      %swap3A_293 = tpu.vector_load %arg9[%swap3A_291, %swap3A_292] {strides = array<i32>} : memref<32x128xi32, #tpu.memory_space<vmem>>, vector<1x16xi32>,
      %swap3A_294 = vector.shape_cast %swap3A_293 : vector<1x16xi32> to vector<16xi32>
      %swap3A_295 = vector.shape_cast %add3A_290 : vector<16xi32> to vector<1x16xi32>
      tpu.vector_store %arg9[%swap3A_291, %swap3A_292], %swap3A_295 {strides = array<i32>} : memref<32x128xi32, #tpu.memory_space<vmem>>, vector<1x16xi32>,
      %mul3A_296 = arith.constant 128 : i32
      %mul3A_297 = arith.muli %scan3A_53, %mul3A_296 : i32
      %add3A_298 = arith.constant 112 : i32
      %add3A_299 = arith.addi %mul3A_297, %add3A_298 : i32
      %get3A_300 = arith.index_cast %add3A_299 : i32 to index
      %get3A_301 = tpu.vector_load %arg6[%get3A_300] {strides = array<i32>} : memref<4096xi32, #tpu.memory_space<vmem>>, vector<16xi32>,
      %get3A_302 = vector.shape_cast %get3A_301 : vector<16xi32> to vector<16xi32>
      %mul3A_303 = arith.constant 128 : i32
      %mul3A_304 = arith.muli %scan3A_53, %mul3A_303 : i32
      %add3A_305 = arith.constant 112 : i32
      %add3A_306 = arith.addi %mul3A_304, %add3A_305 : i32
      %get3A_307 = arith.index_cast %add3A_306 : i32 to index
      %get3A_308 = tpu.vector_load %arg7[%get3A_307] {strides = array<i32>} : memref<4096xi32, #tpu.memory_space<vmem>>, vector<16xi32>,
      %get3A_309 = vector.shape_cast %get3A_308 : vector<16xi32> to vector<16xi32>
      %shift_right_arithmetic3A_310 = arith.constant 7 : i32
      %shift_right_arithmetic3A_311 = vector.broadcast %shift_right_arithmetic3A_310 : i32 to vector<16xi32>
      %shift_right_arithmetic3A_312 = arith.shrsi %get3A_309, %shift_right_arithmetic3A_311 : vector<16xi32>
      %shift_left3A_313 = arith.constant 17 : i32
      %shift_left3A_314 = vector.broadcast %shift_left3A_313 : i32 to vector<16xi32>
      %shift_left3A_315 = arith.shli %shift_right_arithmetic3A_312, %shift_left3A_314 : vector<16xi32>
      %add3A_316 = vector.broadcast %mul3A_37 : i32 to vector<16xi32>
      %add3A_317 = arith.addi %add3A_316, %shift_left3A_315 : vector<16xi32>
      %shift_left3A_318 = arith.constant 7 : i32
      %shift_left3A_319 = vector.broadcast %shift_left3A_318 : i32 to vector<16xi32>
      %shift_left3A_320 = arith.shli %get3A_302, %shift_left3A_319 : vector<16xi32>
      %add3A_321 = arith.addi %add3A_317, %shift_left3A_320 : vector<16xi32>
      %and3A_322 = arith.constant 127 : i32
      %and3A_323 = vector.broadcast %and3A_322 : i32 to vector<16xi32>
      %and3A_324 = arith.andi %get3A_309, %and3A_323 : vector<16xi32>
      %add3A_325 = arith.addi %add3A_321, %and3A_324 : vector<16xi32>
      %swap3A_326 = arith.index_cast %scan3A_53 : i32 to index
      %swap3A_327 = arith.constant 112 : index
      %swap3A_328 = tpu.vector_load %arg9[%swap3A_326, %swap3A_327] {strides = array<i32>} : memref<32x128xi32, #tpu.memory_space<vmem>>, vector<1x16xi32>,
      %swap3A_329 = vector.shape_cast %swap3A_328 : vector<1x16xi32> to vector<16xi32>
      %swap3A_330 = vector.shape_cast %add3A_325 : vector<16xi32> to vector<1x16xi32>
      tpu.vector_store %arg9[%swap3A_326, %swap3A_327], %swap3A_330 {strides = array<i32>} : memref<32x128xi32, #tpu.memory_space<vmem>>, vector<1x16xi32>,
      %dma_start3A = arith.constant 0 : i32
      %dma_start3A_331 = tpu.memref_slice %arg10[%scan3A_53, %dma_start3A] : memref<32x128xf32, #tpu.memory_space<vmem>> -> memref<1x128xf32, #tpu.memory_space<vmem>>
      %dma_start3A_332 = tpu.memref_squeeze %dma_start3A_331 : memref<1x128xf32, #tpu.memory_space<vmem>> -> memref<128xf32, #tpu.memory_space<vmem>>
      %dma_start3A_333 = arith.constant 0 : i32
      %dma_start3A_334 = tpu.memref_slice %arg9[%scan3A_53, %dma_start3A_333] : memref<32x128xi32, #tpu.memory_space<vmem>> -> memref<1x128xi32, #tpu.memory_space<vmem>>
      %dma_start3A_335 = tpu.memref_squeeze %dma_start3A_334 : memref<1x128xi32, #tpu.memory_space<vmem>> -> memref<128xi32, #tpu.memory_space<vmem>>
      %dma_start3A_336 = arith.constant 0 : i32
      %dma_start3A_337 = tpu.memref_slice %arg4[%dma_start3A_336] : memref<8388608xf32, #tpu.memory_space<hbm>> -> memref<8388608xf32, #tpu.memory_space<hbm>>
      tpu.enqueue_indirect_dma source(%dma_start3A_337 : memref<8388608xf32, #tpu.memory_space<hbm>>) target(%dma_start3A_332 : memref<128xf32, #tpu.memory_space<vmem>>) offsets(%dma_start3A_335 : memref<128xi32, #tpu.memory_space<vmem>>) semaphore(%arg12 : memref<!tpu.dma_semaphore, #tpu.memory_space<semaphore_mem>>)
    }
    %scan3A_42 = arith.constant 32 : i32
    %broadcast_in_dim3A = arith.constant 0.000000e+00 : f32
    %broadcast_in_dim3A_43 = vector.broadcast %broadcast_in_dim3A : f32 to vector<16xf32>
    %scan3A_44 = arith.constant 0 : i32
    %scan3A_45 = arith.constant 32 : i32
    %scan3A_46 = arith.addi %scan3A_44, %scan3A_45 : i32
    %scan3A_47 = arith.constant 1 : i32
    %scan3A_48 = scf.for %scan3A_53 = %scan3A_44 to %scan3A_46 step %scan3A_47 iter_args(%scan3A_54 = %broadcast_in_dim3A_43) -> (vector<16xf32>)  : i32 {
      %dma_wait3A = arith.constant 0 : i32
      %dma_wait3A_55 = tpu.memref_slice %arg10[%scan3A_53, %dma_wait3A] : memref<32x128xf32, #tpu.memory_space<vmem>> -> memref<1x128xf32, #tpu.memory_space<vmem>>
      %dma_wait3A_56 = tpu.memref_squeeze %dma_wait3A_55 : memref<1x128xf32, #tpu.memory_space<vmem>> -> memref<128xf32, #tpu.memory_space<vmem>>
      %dma_wait3A_57 = arith.constant 0 : i32
      %dma_wait3A_58 = tpu.memref_slice %arg9[%scan3A_53, %dma_wait3A_57] : memref<32x128xi32, #tpu.memory_space<vmem>> -> memref<1x128xi32, #tpu.memory_space<vmem>>
      %dma_wait3A_59 = tpu.memref_squeeze %dma_wait3A_58 : memref<1x128xi32, #tpu.memory_space<vmem>> -> memref<128xi32, #tpu.memory_space<vmem>>
      %dma_wait3A_60 = arith.constant 0 : i32
      %dma_wait3A_61 = tpu.memref_slice %arg4[%dma_wait3A_60] : memref<8388608xf32, #tpu.memory_space<hbm>> -> memref<8388608xf32, #tpu.memory_space<hbm>>
      tpu.wait_indirect_dma semaphore(%arg12 : memref<!tpu.dma_semaphore, #tpu.memory_space<semaphore_mem>>) src(%dma_wait3A_61 : memref<8388608xf32, #tpu.memory_space<hbm>>) dst(%dma_wait3A_56 : memref<128xf32, #tpu.memory_space<vmem>>)
      %get3A = arith.index_cast %scan3A_53 : i32 to index
      %get3A_62 = arith.constant 0 : index
      %get3A_63 = tpu.vector_load %arg10[%get3A, %get3A_62] {strides = array<i32>} : memref<32x128xf32, #tpu.memory_space<vmem>>, vector<1x16xf32>,
      %get3A_64 = vector.shape_cast %get3A_63 : vector<1x16xf32> to vector<16xf32>
      %mul3A_65 = arith.constant 128 : i32
      %mul3A_66 = arith.muli %scan3A_53, %mul3A_65 : i32
      %add3A_67 = arith.constant 0 : i32
      %add3A_68 = arith.addi %mul3A_66, %add3A_67 : i32
      %get3A_69 = arith.index_cast %add3A_68 : i32 to index
      %get3A_70 = tpu.vector_load %arg8[%get3A_69] {strides = array<i32>} : memref<4096xf32, #tpu.memory_space<vmem>>, vector<16xf32>,
      %get3A_71 = vector.shape_cast %get3A_70 : vector<16xf32> to vector<16xf32>
      %mul3A_72 = arith.mulf %get3A_64, %get3A_71 : vector<16xf32>
      %add3A_73 = arith.addf %scan3A_54, %mul3A_72 : vector<16xf32>
      %get3A_74 = arith.index_cast %scan3A_53 : i32 to index
      %get3A_75 = arith.constant 16 : index
      %get3A_76 = tpu.vector_load %arg10[%get3A_74, %get3A_75] {strides = array<i32>} : memref<32x128xf32, #tpu.memory_space<vmem>>, vector<1x16xf32>,
      %get3A_77 = vector.shape_cast %get3A_76 : vector<1x16xf32> to vector<16xf32>
      %mul3A_78 = arith.constant 128 : i32
      %mul3A_79 = arith.muli %scan3A_53, %mul3A_78 : i32
      %add3A_80 = arith.constant 16 : i32
      %add3A_81 = arith.addi %mul3A_79, %add3A_80 : i32
      %get3A_82 = arith.index_cast %add3A_81 : i32 to index
      %get3A_83 = tpu.vector_load %arg8[%get3A_82] {strides = array<i32>} : memref<4096xf32, #tpu.memory_space<vmem>>, vector<16xf32>,
      %get3A_84 = vector.shape_cast %get3A_83 : vector<16xf32> to vector<16xf32>
      %mul3A_85 = arith.mulf %get3A_77, %get3A_84 : vector<16xf32>
      %add3A_86 = arith.addf %add3A_73, %mul3A_85 : vector<16xf32>
      %get3A_87 = arith.index_cast %scan3A_53 : i32 to index
      %get3A_88 = arith.constant 32 : index
      %get3A_89 = tpu.vector_load %arg10[%get3A_87, %get3A_88] {strides = array<i32>} : memref<32x128xf32, #tpu.memory_space<vmem>>, vector<1x16xf32>,
      %get3A_90 = vector.shape_cast %get3A_89 : vector<1x16xf32> to vector<16xf32>
      %mul3A_91 = arith.constant 128 : i32
      %mul3A_92 = arith.muli %scan3A_53, %mul3A_91 : i32
      %add3A_93 = arith.constant 32 : i32
      %add3A_94 = arith.addi %mul3A_92, %add3A_93 : i32
      %get3A_95 = arith.index_cast %add3A_94 : i32 to index
      %get3A_96 = tpu.vector_load %arg8[%get3A_95] {strides = array<i32>} : memref<4096xf32, #tpu.memory_space<vmem>>, vector<16xf32>,
      %get3A_97 = vector.shape_cast %get3A_96 : vector<16xf32> to vector<16xf32>
      %mul3A_98 = arith.mulf %get3A_90, %get3A_97 : vector<16xf32>
      %add3A_99 = arith.addf %add3A_86, %mul3A_98 : vector<16xf32>
      %get3A_100 = arith.index_cast %scan3A_53 : i32 to index
      %get3A_101 = arith.constant 48 : index
      %get3A_102 = tpu.vector_load %arg10[%get3A_100, %get3A_101] {strides = array<i32>} : memref<32x128xf32, #tpu.memory_space<vmem>>, vector<1x16xf32>,
      %get3A_103 = vector.shape_cast %get3A_102 : vector<1x16xf32> to vector<16xf32>
      %mul3A_104 = arith.constant 128 : i32
      %mul3A_105 = arith.muli %scan3A_53, %mul3A_104 : i32
      %add3A_106 = arith.constant 48 : i32
      %add3A_107 = arith.addi %mul3A_105, %add3A_106 : i32
      %get3A_108 = arith.index_cast %add3A_107 : i32 to index
      %get3A_109 = tpu.vector_load %arg8[%get3A_108] {strides = array<i32>} : memref<4096xf32, #tpu.memory_space<vmem>>, vector<16xf32>,
      %get3A_110 = vector.shape_cast %get3A_109 : vector<16xf32> to vector<16xf32>
      %mul3A_111 = arith.mulf %get3A_103, %get3A_110 : vector<16xf32>
      %add3A_112 = arith.addf %add3A_99, %mul3A_111 : vector<16xf32>
      %get3A_113 = arith.index_cast %scan3A_53 : i32 to index
      %get3A_114 = arith.constant 64 : index
      %get3A_115 = tpu.vector_load %arg10[%get3A_113, %get3A_114] {strides = array<i32>} : memref<32x128xf32, #tpu.memory_space<vmem>>, vector<1x16xf32>,
      %get3A_116 = vector.shape_cast %get3A_115 : vector<1x16xf32> to vector<16xf32>
      %mul3A_117 = arith.constant 128 : i32
      %mul3A_118 = arith.muli %scan3A_53, %mul3A_117 : i32
      %add3A_119 = arith.constant 64 : i32
      %add3A_120 = arith.addi %mul3A_118, %add3A_119 : i32
      %get3A_121 = arith.index_cast %add3A_120 : i32 to index
      %get3A_122 = tpu.vector_load %arg8[%get3A_121] {strides = array<i32>} : memref<4096xf32, #tpu.memory_space<vmem>>, vector<16xf32>,
      %get3A_123 = vector.shape_cast %get3A_122 : vector<16xf32> to vector<16xf32>
      %mul3A_124 = arith.mulf %get3A_116, %get3A_123 : vector<16xf32>
      %add3A_125 = arith.addf %add3A_112, %mul3A_124 : vector<16xf32>
      %get3A_126 = arith.index_cast %scan3A_53 : i32 to index
      %get3A_127 = arith.constant 80 : index
      %get3A_128 = tpu.vector_load %arg10[%get3A_126, %get3A_127] {strides = array<i32>} : memref<32x128xf32, #tpu.memory_space<vmem>>, vector<1x16xf32>,
      %get3A_129 = vector.shape_cast %get3A_128 : vector<1x16xf32> to vector<16xf32>
      %mul3A_130 = arith.constant 128 : i32
      %mul3A_131 = arith.muli %scan3A_53, %mul3A_130 : i32
      %add3A_132 = arith.constant 80 : i32
      %add3A_133 = arith.addi %mul3A_131, %add3A_132 : i32
      %get3A_134 = arith.index_cast %add3A_133 : i32 to index
      %get3A_135 = tpu.vector_load %arg8[%get3A_134] {strides = array<i32>} : memref<4096xf32, #tpu.memory_space<vmem>>, vector<16xf32>,
      %get3A_136 = vector.shape_cast %get3A_135 : vector<16xf32> to vector<16xf32>
      %mul3A_137 = arith.mulf %get3A_129, %get3A_136 : vector<16xf32>
      %add3A_138 = arith.addf %add3A_125, %mul3A_137 : vector<16xf32>
      %get3A_139 = arith.index_cast %scan3A_53 : i32 to index
      %get3A_140 = arith.constant 96 : index
      %get3A_141 = tpu.vector_load %arg10[%get3A_139, %get3A_140] {strides = array<i32>} : memref<32x128xf32, #tpu.memory_space<vmem>>, vector<1x16xf32>,
      %get3A_142 = vector.shape_cast %get3A_141 : vector<1x16xf32> to vector<16xf32>
      %mul3A_143 = arith.constant 128 : i32
      %mul3A_144 = arith.muli %scan3A_53, %mul3A_143 : i32
      %add3A_145 = arith.constant 96 : i32
      %add3A_146 = arith.addi %mul3A_144, %add3A_145 : i32
      %get3A_147 = arith.index_cast %add3A_146 : i32 to index
      %get3A_148 = tpu.vector_load %arg8[%get3A_147] {strides = array<i32>} : memref<4096xf32, #tpu.memory_space<vmem>>, vector<16xf32>,
      %get3A_149 = vector.shape_cast %get3A_148 : vector<16xf32> to vector<16xf32>
      %mul3A_150 = arith.mulf %get3A_142, %get3A_149 : vector<16xf32>
      %add3A_151 = arith.addf %add3A_138, %mul3A_150 : vector<16xf32>
      %get3A_152 = arith.index_cast %scan3A_53 : i32 to index
      %get3A_153 = arith.constant 112 : index
      %get3A_154 = tpu.vector_load %arg10[%get3A_152, %get3A_153] {strides = array<i32>} : memref<32x128xf32, #tpu.memory_space<vmem>>, vector<1x16xf32>,
      %get3A_155 = vector.shape_cast %get3A_154 : vector<1x16xf32> to vector<16xf32>
      %mul3A_156 = arith.constant 128 : i32
      %mul3A_157 = arith.muli %scan3A_53, %mul3A_156 : i32
      %add3A_158 = arith.constant 112 : i32
      %add3A_159 = arith.addi %mul3A_157, %add3A_158 : i32
      %get3A_160 = arith.index_cast %add3A_159 : i32 to index
      %get3A_161 = tpu.vector_load %arg8[%get3A_160] {strides = array<i32>} : memref<4096xf32, #tpu.memory_space<vmem>>, vector<16xf32>,
      %get3A_162 = vector.shape_cast %get3A_161 : vector<16xf32> to vector<16xf32>
      %mul3A_163 = arith.mulf %get3A_155, %get3A_162 : vector<16xf32>
      %add3A_164 = arith.addf %add3A_151, %mul3A_163 : vector<16xf32>
      scf.yield %add3A_164 : vector<16xf32>
    }
    %scan3A_49 = arith.constant 32 : i32
    %swap3A = arith.constant 0 : index
    %swap3A_50 = tpu.vector_load %arg11[%swap3A] {strides = array<i32>} : memref<16xf32, #tpu.memory_space<vmem>>, vector<16xf32>,
    %swap3A_51 = vector.shape_cast %swap3A_50 : vector<16xf32> to vector<16xf32>
    %swap3A_52 = vector.shape_cast %scan3A_48 : vector<16xf32> to vector<16xf32>
    tpu.vector_store %arg11[%swap3A], %swap3A_52 {strides = array<i32>} : memref<16xf32, #tpu.memory_space<vmem>>, vector<16xf32>,
    "tpu.region"() ({
      %run_scoped3A_53 = tpu.sem_alloc : memref<!tpu.dma_semaphore, #tpu.memory_space<semaphore_mem>>
      %dma_start3A = arith.constant 0 : i32
      %dma_start3A_54 = tpu.memref_slice %arg5[%add3A, %dma_start3A] : memref<32x16xf32, #tpu.memory_space<hbm>> -> memref<1x16xf32, #tpu.memory_space<hbm>>
      %dma_start3A_55 = tpu.memref_squeeze %dma_start3A_54 : memref<1x16xf32, #tpu.memory_space<hbm>> -> memref<16xf32, #tpu.memory_space<hbm>>
      %dma_start3A_56 = arith.constant 0 : i32
      %dma_start3A_57 = tpu.memref_slice %arg5[%add3A, %dma_start3A_56] : memref<32x16xf32, #tpu.memory_space<hbm>> -> memref<1x16xf32, #tpu.memory_space<hbm>>
      %dma_start3A_58 = tpu.memref_squeeze %dma_start3A_57 : memref<1x16xf32, #tpu.memory_space<hbm>> -> memref<16xf32, #tpu.memory_space<hbm>>
      tpu.enqueue_dma source(%arg11 : memref<16xf32, #tpu.memory_space<vmem>>) target(%dma_start3A_58 : memref<16xf32, #tpu.memory_space<hbm>>) target_semaphore(%run_scoped3A_53 : memref<!tpu.dma_semaphore, #tpu.memory_space<semaphore_mem>>)
      %dma_wait3A = arith.constant 0 : i32
      %dma_wait3A_59 = tpu.memref_slice %arg5[%add3A, %dma_wait3A] : memref<32x16xf32, #tpu.memory_space<hbm>> -> memref<1x16xf32, #tpu.memory_space<hbm>>
      %dma_wait3A_60 = tpu.memref_squeeze %dma_wait3A_59 : memref<1x16xf32, #tpu.memory_space<hbm>> -> memref<16xf32, #tpu.memory_space<hbm>>
      %dma_wait3A_61 = arith.constant 0 : i32
      %dma_wait3A_62 = tpu.memref_slice %arg5[%add3A, %dma_wait3A_61] : memref<32x16xf32, #tpu.memory_space<hbm>> -> memref<1x16xf32, #tpu.memory_space<hbm>>
      %dma_wait3A_63 = tpu.memref_squeeze %dma_wait3A_62 : memref<1x16xf32, #tpu.memory_space<hbm>> -> memref<16xf32, #tpu.memory_space<hbm>>
      tpu.wait_dma2 semaphore(%run_scoped3A_53 : memref<!tpu.dma_semaphore, #tpu.memory_space<semaphore_mem>>) src(%arg11 : memref<16xf32, #tpu.memory_space<vmem>>) dst(%dma_wait3A_63 : memref<16xf32, #tpu.memory_space<hbm>>)
      tpu.yield
    }) : () -> ()
    return
  }
}

module attributes {stable_mosaic.version = 14 : i64} {
  func.func @_tc_body(%arg0: i32, %arg1: memref<1x1024x96xf32, #tpu.memory_space<vmem>>, %arg2: memref<1x1x1024xf32, #tpu.memory_space<vmem>>, %arg3: memref<1x8x1024x128xf32, #tpu.memory_space<vmem>>) attributes {dimension_semantics = [#tpu.dimension_semantics<arbitrary>], iteration_bounds = array<i64: 8>, scalar_prefetch = 0 : i64, scratch_operands = 0 : i64, tpu.core_type = #tpu.core_type<tc>, window_params = [{transform_indices = @transform_0, window_bounds = array<i64: 1, 1024, 96>}, {transform_indices = @transform_1, window_bounds = array<i64: 1, 1, 1024>}, {transform_indices = @transform_2, window_bounds = array<i64: 1, 8, 1024, 128>}]} {
    %get3A = arith.constant 0 : index
    %get3A_0 = arith.constant 0 : index
    %get3A_1 = arith.constant 0 : index
    %get3A_2 = vector.load %arg1[%get3A, %get3A_0, %get3A_1] : memref<1x1024x96xf32, #tpu.memory_space<vmem>>, vector<1x1024x96xf32>
    %get3A_3 = vector.shape_cast %get3A_2 : vector<1x1024x96xf32> to vector<1024x96xf32>
    %mul3A = arith.constant 3.81469727E-6 : f32
    %mul3A_4 = vector.broadcast %mul3A : f32 to vector<1024x96xf32>
    %mul3A_5 = arith.mulf %get3A_3, %mul3A_4 : vector<1024x96xf32>
    %mul3A_6 = arith.mulf %mul3A_5, %mul3A_5 : vector<1024x96xf32>
    %reduce_sum3A = arith.constant dense<0.000000e+00> : vector<1024xf32>
    %reduce_sum3A_7 = vector.multi_reduction <add>, %mul3A_6, %reduce_sum3A [1] : vector<1024x96xf32> to vector<1024xf32>
    %broadcast_in_dim3A = vector.shape_cast %reduce_sum3A_7 : vector<1024xf32> to vector<1024x1xf32>
    %reduce_sum3A_8 = arith.constant dense<0.000000e+00> : vector<1024xf32>
    %reduce_sum3A_9 = vector.multi_reduction <add>, %mul3A_5, %reduce_sum3A_8 [1] : vector<1024x96xf32> to vector<1024xf32>
    %broadcast_in_dim3A_10 = vector.shape_cast %reduce_sum3A_9 : vector<1024xf32> to vector<1024x1xf32>
    %mul3A_11 = arith.constant 7.62939451E-12 : f32
    %mul3A_12 = vector.broadcast %mul3A_11 : f32 to vector<1024x1xf32>
    %mul3A_13 = arith.mulf %mul3A_12, %broadcast_in_dim3A_10 : vector<1024x1xf32>
    %add3A = arith.addf %broadcast_in_dim3A, %mul3A_13 : vector<1024x1xf32>
    %add3A_14 = arith.constant 1.39698386E-21 : f32
    %add3A_15 = vector.broadcast %add3A_14 : f32 to vector<1024x1xf32>
    %add3A_16 = arith.addf %add3A, %add3A_15 : vector<1024x1xf32>
    %mul3A_17 = arith.constant 7.62939451E-12 : f32
    %mul3A_18 = vector.broadcast %mul3A_17 : f32 to vector<1024x1xf32>
    %mul3A_19 = arith.mulf %mul3A_18, %broadcast_in_dim3A_10 : vector<1024x1xf32>
    %sub3A = arith.subf %broadcast_in_dim3A, %mul3A_19 : vector<1024x1xf32>
    %broadcast_in_dim3A_20 = arith.constant 1.000000e+00 : f32
    %broadcast_in_dim3A_21 = vector.broadcast %broadcast_in_dim3A_20 : f32 to vector<1024x1xf32>
    %mul3A_22 = arith.constant -2.000000e+00 : f32
    %mul3A_23 = vector.broadcast %mul3A_22 : f32 to vector<1024x96xf32>
    %mul3A_24 = arith.mulf %mul3A_23, %mul3A_5 : vector<1024x96xf32>
    %concatenate3A = tpu.concatenate %mul3A_24, %add3A_16, %broadcast_in_dim3A_21 in 1 : vector<1024x96xf32>, vector<1024x1xf32>, vector<1024x1xf32> -> vector<1024x98xf32>
    %concatenate3A_25 = tpu.concatenate %mul3A_5, %broadcast_in_dim3A_21, %sub3A in 1 : vector<1024x96xf32>, vector<1024x1xf32>, vector<1024x1xf32> -> vector<1024x98xf32>
    %dot_general3A = arith.constant dense<0.000000e+00> : vector<1024x1024xf32>
    %dot_general3A_26 = tpu.matmul %concatenate3A, %concatenate3A_25, %dot_general3A {dimension_numbers = #tpu.dot_dimension_numbers<[1], [1], [0], [0], [0, 0, 1, 0], [], []>, transpose_lhs_hint = false} : vector<1024x98xf32>, vector<1024x98xf32>, vector<1024x1024xf32> -> vector<1024x1024xf32>
    %max3A = arith.constant 1.000000e-36 : f32
    %max3A_27 = vector.broadcast %max3A : f32 to vector<1024x1024xf32>
    %max3A_28 = arith.maximumf %dot_general3A_26, %max3A_27 : vector<1024x1024xf32>
    %rsqrt3A = math.rsqrt %max3A_28 : vector<1024x1024xf32>
    %mul3A_29 = arith.mulf %max3A_28, %rsqrt3A : vector<1024x1024xf32>
    %get3A_30 = arith.constant 0 : index
    %get3A_31 = arith.constant 0 : index
    %get3A_32 = arith.constant 0 : index
    %get3A_33 = vector.load %arg2[%get3A_30, %get3A_31, %get3A_32] : memref<1x1x1024xf32, #tpu.memory_space<vmem>>, vector<1x1x1024xf32>
    %get3A_34 = vector.shape_cast %get3A_33 : vector<1x1x1024xf32> to vector<1x1024xf32>
    %eq3A = arith.constant 0.000000e+00 : f32
    %eq3A_35 = vector.broadcast %eq3A : f32 to vector<1x1024xf32>
    %eq3A_36 = arith.cmpf oeq, %get3A_34, %eq3A_35 : vector<1x1024xf32>
    %convert_element_type3A = arith.extui %eq3A_36 : vector<1x1024xi1> to vector<1x1024xi32>
    %convert_element_type3A_37 = arith.sitofp %convert_element_type3A : vector<1x1024xi32> to vector<1x1024xf32>
    %eq3A_38 = arith.constant 1.000000e+00 : f32
    %eq3A_39 = vector.broadcast %eq3A_38 : f32 to vector<1x1024xf32>
    %eq3A_40 = arith.cmpf oeq, %get3A_34, %eq3A_39 : vector<1x1024xf32>
    %convert_element_type3A_41 = arith.extui %eq3A_40 : vector<1x1024xi1> to vector<1x1024xi32>
    %convert_element_type3A_42 = arith.sitofp %convert_element_type3A_41 : vector<1x1024xi32> to vector<1x1024xf32>
    %eq3A_43 = arith.constant 2.000000e+00 : f32
    %eq3A_44 = vector.broadcast %eq3A_43 : f32 to vector<1x1024xf32>
    %eq3A_45 = arith.cmpf oeq, %get3A_34, %eq3A_44 : vector<1x1024xf32>
    %convert_element_type3A_46 = arith.extui %eq3A_45 : vector<1x1024xi1> to vector<1x1024xi32>
    %convert_element_type3A_47 = arith.sitofp %convert_element_type3A_46 : vector<1x1024xi32> to vector<1x1024xf32>
    %concatenate3A_48 = tpu.concatenate %convert_element_type3A_37, %convert_element_type3A_42, %convert_element_type3A_47 in 0 : vector<1x1024xf32>, vector<1x1024xf32>, vector<1x1024xf32> -> vector<3x1024xf32>
    %mul3A_49 = arith.constant 7.62939453E-6 : f32
    %mul3A_50 = vector.broadcast %mul3A_49 : f32 to vector<1x1024xf32>
    %mul3A_51 = arith.mulf %mul3A_50, %convert_element_type3A_42 : vector<1x1024xf32>
    %mul3A_52 = arith.constant 5.7220459E-5 : f32
    %mul3A_53 = vector.broadcast %mul3A_52 : f32 to vector<1x1024xf32>
    %mul3A_54 = arith.mulf %mul3A_53, %convert_element_type3A_47 : vector<1x1024xf32>
    %add3A_55 = arith.addf %mul3A_51, %mul3A_54 : vector<1x1024xf32>
    %mul3A_56 = arith.constant 7.62939453E-6 : f32
    %mul3A_57 = vector.broadcast %mul3A_56 : f32 to vector<1x1024xf32>
    %mul3A_58 = arith.mulf %mul3A_57, %convert_element_type3A_37 : vector<1x1024xf32>
    %mul3A_59 = arith.constant 6.48498535E-5 : f32
    %mul3A_60 = vector.broadcast %mul3A_59 : f32 to vector<1x1024xf32>
    %mul3A_61 = arith.mulf %mul3A_60, %convert_element_type3A_47 : vector<1x1024xf32>
    %add3A_62 = arith.addf %mul3A_58, %mul3A_61 : vector<1x1024xf32>
    %mul3A_63 = arith.constant 5.7220459E-5 : f32
    %mul3A_64 = vector.broadcast %mul3A_63 : f32 to vector<1x1024xf32>
    %mul3A_65 = arith.mulf %mul3A_64, %convert_element_type3A_37 : vector<1x1024xf32>
    %mul3A_66 = arith.constant 6.48498535E-5 : f32
    %mul3A_67 = vector.broadcast %mul3A_66 : f32 to vector<1x1024xf32>
    %mul3A_68 = arith.mulf %mul3A_67, %convert_element_type3A_42 : vector<1x1024xf32>
    %add3A_69 = arith.addf %mul3A_65, %mul3A_68 : vector<1x1024xf32>
    %concatenate3A_70 = tpu.concatenate %add3A_55, %add3A_62, %add3A_69 in 0 : vector<1x1024xf32>, vector<1x1024xf32>, vector<1x1024xf32> -> vector<3x1024xf32>
    %dot_general3A_71 = arith.constant dense<0.000000e+00> : vector<1024x1024xf32>
    %dot_general3A_72 = tpu.matmul %concatenate3A_48, %concatenate3A_70, %dot_general3A_71 {dimension_numbers = #tpu.dot_dimension_numbers<[0], [0], [1], [1], [0, 1, 1, 1], [], []>, transpose_lhs_hint = false} : vector<3x1024xf32>, vector<3x1024xf32>, vector<1024x1024xf32> -> vector<1024x1024xf32>
    %sub3A_73 = arith.subf %dot_general3A_72, %mul3A_29 : vector<1024x1024xf32>
    %abs3A = math.absf %sub3A_73 : vector<1024x1024xf32>
    %slice3A = vector.extract_strided_slice %abs3A {offsets = [0, 0], sizes = [1024, 128], strides = [1, 1]} : vector<1024x1024xf32> to vector<1024x128xf32>
    %swap3A = arith.constant 0 : index
    %swap3A_74 = arith.constant 0 : index
    %swap3A_75 = arith.constant 0 : index
    %swap3A_76 = arith.constant 0 : index
    %swap3A_77 = vector.load %arg3[%swap3A, %swap3A_74, %swap3A_75, %swap3A_76] : memref<1x8x1024x128xf32, #tpu.memory_space<vmem>>, vector<1x1x1024x128xf32>
    %swap3A_78 = vector.shape_cast %swap3A_77 : vector<1x1x1024x128xf32> to vector<1024x128xf32>
    %swap3A_79 = vector.shape_cast %slice3A : vector<1024x128xf32> to vector<1x1x1024x128xf32>
    tpu.vector_store %arg3[%swap3A, %swap3A_74, %swap3A_75, %swap3A_76], %swap3A_79 {strides = array<i32>} : memref<1x8x1024x128xf32, #tpu.memory_space<vmem>>, vector<1x1x1024x128xf32>,
    %slice3A_80 = vector.extract_strided_slice %abs3A {offsets = [0, 128], sizes = [1024, 128], strides = [1, 1]} : vector<1024x1024xf32> to vector<1024x128xf32>
    %swap3A_81 = arith.constant 0 : index
    %swap3A_82 = arith.constant 1 : index
    %swap3A_83 = arith.constant 0 : index
    %swap3A_84 = arith.constant 0 : index
    %swap3A_85 = vector.load %arg3[%swap3A_81, %swap3A_82, %swap3A_83, %swap3A_84] : memref<1x8x1024x128xf32, #tpu.memory_space<vmem>>, vector<1x1x1024x128xf32>
    %swap3A_86 = vector.shape_cast %swap3A_85 : vector<1x1x1024x128xf32> to vector<1024x128xf32>
    %swap3A_87 = vector.shape_cast %slice3A_80 : vector<1024x128xf32> to vector<1x1x1024x128xf32>
    tpu.vector_store %arg3[%swap3A_81, %swap3A_82, %swap3A_83, %swap3A_84], %swap3A_87 {strides = array<i32>} : memref<1x8x1024x128xf32, #tpu.memory_space<vmem>>, vector<1x1x1024x128xf32>,
    %slice3A_88 = vector.extract_strided_slice %abs3A {offsets = [0, 256], sizes = [1024, 128], strides = [1, 1]} : vector<1024x1024xf32> to vector<1024x128xf32>
    %swap3A_89 = arith.constant 0 : index
    %swap3A_90 = arith.constant 2 : index
    %swap3A_91 = arith.constant 0 : index
    %swap3A_92 = arith.constant 0 : index
    %swap3A_93 = vector.load %arg3[%swap3A_89, %swap3A_90, %swap3A_91, %swap3A_92] : memref<1x8x1024x128xf32, #tpu.memory_space<vmem>>, vector<1x1x1024x128xf32>
    %swap3A_94 = vector.shape_cast %swap3A_93 : vector<1x1x1024x128xf32> to vector<1024x128xf32>
    %swap3A_95 = vector.shape_cast %slice3A_88 : vector<1024x128xf32> to vector<1x1x1024x128xf32>
    tpu.vector_store %arg3[%swap3A_89, %swap3A_90, %swap3A_91, %swap3A_92], %swap3A_95 {strides = array<i32>} : memref<1x8x1024x128xf32, #tpu.memory_space<vmem>>, vector<1x1x1024x128xf32>,
    %slice3A_96 = vector.extract_strided_slice %abs3A {offsets = [0, 384], sizes = [1024, 128], strides = [1, 1]} : vector<1024x1024xf32> to vector<1024x128xf32>
    %swap3A_97 = arith.constant 0 : index
    %swap3A_98 = arith.constant 3 : index
    %swap3A_99 = arith.constant 0 : index
    %swap3A_100 = arith.constant 0 : index
    %swap3A_101 = vector.load %arg3[%swap3A_97, %swap3A_98, %swap3A_99, %swap3A_100] : memref<1x8x1024x128xf32, #tpu.memory_space<vmem>>, vector<1x1x1024x128xf32>
    %swap3A_102 = vector.shape_cast %swap3A_101 : vector<1x1x1024x128xf32> to vector<1024x128xf32>
    %swap3A_103 = vector.shape_cast %slice3A_96 : vector<1024x128xf32> to vector<1x1x1024x128xf32>
    tpu.vector_store %arg3[%swap3A_97, %swap3A_98, %swap3A_99, %swap3A_100], %swap3A_103 {strides = array<i32>} : memref<1x8x1024x128xf32, #tpu.memory_space<vmem>>, vector<1x1x1024x128xf32>,
    %slice3A_104 = vector.extract_strided_slice %abs3A {offsets = [0, 512], sizes = [1024, 128], strides = [1, 1]} : vector<1024x1024xf32> to vector<1024x128xf32>
    %swap3A_105 = arith.constant 0 : index
    %swap3A_106 = arith.constant 4 : index
    %swap3A_107 = arith.constant 0 : index
    %swap3A_108 = arith.constant 0 : index
    %swap3A_109 = vector.load %arg3[%swap3A_105, %swap3A_106, %swap3A_107, %swap3A_108] : memref<1x8x1024x128xf32, #tpu.memory_space<vmem>>, vector<1x1x1024x128xf32>
    %swap3A_110 = vector.shape_cast %swap3A_109 : vector<1x1x1024x128xf32> to vector<1024x128xf32>
    %swap3A_111 = vector.shape_cast %slice3A_104 : vector<1024x128xf32> to vector<1x1x1024x128xf32>
    tpu.vector_store %arg3[%swap3A_105, %swap3A_106, %swap3A_107, %swap3A_108], %swap3A_111 {strides = array<i32>} : memref<1x8x1024x128xf32, #tpu.memory_space<vmem>>, vector<1x1x1024x128xf32>,
    %slice3A_112 = vector.extract_strided_slice %abs3A {offsets = [0, 640], sizes = [1024, 128], strides = [1, 1]} : vector<1024x1024xf32> to vector<1024x128xf32>
    %swap3A_113 = arith.constant 0 : index
    %swap3A_114 = arith.constant 5 : index
    %swap3A_115 = arith.constant 0 : index
    %swap3A_116 = arith.constant 0 : index
    %swap3A_117 = vector.load %arg3[%swap3A_113, %swap3A_114, %swap3A_115, %swap3A_116] : memref<1x8x1024x128xf32, #tpu.memory_space<vmem>>, vector<1x1x1024x128xf32>
    %swap3A_118 = vector.shape_cast %swap3A_117 : vector<1x1x1024x128xf32> to vector<1024x128xf32>
    %swap3A_119 = vector.shape_cast %slice3A_112 : vector<1024x128xf32> to vector<1x1x1024x128xf32>
    tpu.vector_store %arg3[%swap3A_113, %swap3A_114, %swap3A_115, %swap3A_116], %swap3A_119 {strides = array<i32>} : memref<1x8x1024x128xf32, #tpu.memory_space<vmem>>, vector<1x1x1024x128xf32>,
    %slice3A_120 = vector.extract_strided_slice %abs3A {offsets = [0, 768], sizes = [1024, 128], strides = [1, 1]} : vector<1024x1024xf32> to vector<1024x128xf32>
    %swap3A_121 = arith.constant 0 : index
    %swap3A_122 = arith.constant 6 : index
    %swap3A_123 = arith.constant 0 : index
    %swap3A_124 = arith.constant 0 : index
    %swap3A_125 = vector.load %arg3[%swap3A_121, %swap3A_122, %swap3A_123, %swap3A_124] : memref<1x8x1024x128xf32, #tpu.memory_space<vmem>>, vector<1x1x1024x128xf32>
    %swap3A_126 = vector.shape_cast %swap3A_125 : vector<1x1x1024x128xf32> to vector<1024x128xf32>
    %swap3A_127 = vector.shape_cast %slice3A_120 : vector<1024x128xf32> to vector<1x1x1024x128xf32>
    tpu.vector_store %arg3[%swap3A_121, %swap3A_122, %swap3A_123, %swap3A_124], %swap3A_127 {strides = array<i32>} : memref<1x8x1024x128xf32, #tpu.memory_space<vmem>>, vector<1x1x1024x128xf32>,
    %slice3A_128 = vector.extract_strided_slice %abs3A {offsets = [0, 896], sizes = [1024, 128], strides = [1, 1]} : vector<1024x1024xf32> to vector<1024x128xf32>
    %swap3A_129 = arith.constant 0 : index
    %swap3A_130 = arith.constant 7 : index
    %swap3A_131 = arith.constant 0 : index
    %swap3A_132 = arith.constant 0 : index
    %swap3A_133 = vector.load %arg3[%swap3A_129, %swap3A_130, %swap3A_131, %swap3A_132] : memref<1x8x1024x128xf32, #tpu.memory_space<vmem>>, vector<1x1x1024x128xf32>
    %swap3A_134 = vector.shape_cast %swap3A_133 : vector<1x1x1024x128xf32> to vector<1024x128xf32>
    %swap3A_135 = vector.shape_cast %slice3A_128 : vector<1024x128xf32> to vector<1x1x1024x128xf32>
    tpu.vector_store %arg3[%swap3A_129, %swap3A_130, %swap3A_131, %swap3A_132], %swap3A_135 {strides = array<i32>} : memref<1x8x1024x128xf32, #tpu.memory_space<vmem>>, vector<1x1x1024x128xf32>,
    return
  }
  func.func @transform_0(%arg0: i32) -> (i32, i32, i32) {
    %add3A = arith.constant 8 : i32
    %add3A_0 = arith.addi %arg0, %add3A : i32
    %c0_i32 = arith.constant 0 : i32
    %c0_i32_1 = arith.constant 0 : i32
    %c0_i32_2 = arith.constant 0 : i32
    return %add3A_0, %c0_i32, %c0_i32_1 : i32, i32, i32
  }
  func.func @transform_1(%arg0: i32) -> (i32, i32, i32) {
    %add3A = arith.constant 8 : i32
    %add3A_0 = arith.addi %arg0, %add3A : i32
    %c0_i32 = arith.constant 0 : i32
    %c0_i32_1 = arith.constant 0 : i32
    %c0_i32_2 = arith.constant 0 : i32
    return %add3A_0, %c0_i32, %c0_i32_1 : i32, i32, i32
  }
  func.func @transform_2(%arg0: i32) -> (i32, i32, i32, i32) {
    %c0_i32 = arith.constant 0 : i32
    %c0_i32_0 = arith.constant 0 : i32
    %c0_i32_1 = arith.constant 0 : i32
    %c0_i32_2 = arith.constant 0 : i32
    return %arg0, %c0_i32, %c0_i32_0, %c0_i32_1 : i32, i32, i32, i32
  }
}

module attributes {stable_mosaic.version = 14 : i64} {
  func.func @_tc_body(%arg0: i32, %arg1: memref<1x1024x96xf32, #tpu.memory_space<vmem>>, %arg2: memref<1x1x1024xf32, #tpu.memory_space<vmem>>, %arg3: memref<1x8x1024x128xf32, #tpu.memory_space<vmem>>) attributes {dimension_semantics = [#tpu.dimension_semantics<arbitrary>], iteration_bounds = array<i64: 8>, scalar_prefetch = 0 : i64, scratch_operands = 0 : i64, tpu.core_type = #tpu.core_type<tc>, window_params = [{transform_indices = @transform_0, window_bounds = array<i64: 1, 1024, 96>}, {transform_indices = @transform_1, window_bounds = array<i64: 1, 1, 1024>}, {transform_indices = @transform_2, window_bounds = array<i64: 1, 8, 1024, 128>}]} {
    %get3A = arith.constant 0 : index
    %get3A_0 = arith.constant 0 : index
    %get3A_1 = arith.constant 0 : index
    %get3A_2 = vector.load %arg1[%get3A, %get3A_0, %get3A_1] : memref<1x1024x96xf32, #tpu.memory_space<vmem>>, vector<1x1024x96xf32>
    %get3A_3 = vector.shape_cast %get3A_2 : vector<1x1024x96xf32> to vector<1024x96xf32>
    %mul3A = arith.constant 3.81469727E-6 : f32
    %mul3A_4 = vector.broadcast %mul3A : f32 to vector<1024x96xf32>
    %mul3A_5 = arith.mulf %get3A_3, %mul3A_4 : vector<1024x96xf32>
    %mul3A_6 = arith.mulf %mul3A_5, %mul3A_5 : vector<1024x96xf32>
    %reduce_sum3A = arith.constant dense<0.000000e+00> : vector<1024xf32>
    %reduce_sum3A_7 = vector.multi_reduction <add>, %mul3A_6, %reduce_sum3A [1] : vector<1024x96xf32> to vector<1024xf32>
    %broadcast_in_dim3A = vector.shape_cast %reduce_sum3A_7 : vector<1024xf32> to vector<1024x1xf32>
    %reduce_sum3A_8 = arith.constant dense<0.000000e+00> : vector<1024xf32>
    %reduce_sum3A_9 = vector.multi_reduction <add>, %mul3A_5, %reduce_sum3A_8 [1] : vector<1024x96xf32> to vector<1024xf32>
    %broadcast_in_dim3A_10 = vector.shape_cast %reduce_sum3A_9 : vector<1024xf32> to vector<1024x1xf32>
    %mul3A_11 = arith.constant 7.62939451E-12 : f32
    %mul3A_12 = vector.broadcast %mul3A_11 : f32 to vector<1024x1xf32>
    %mul3A_13 = arith.mulf %mul3A_12, %broadcast_in_dim3A_10 : vector<1024x1xf32>
    %add3A = arith.addf %broadcast_in_dim3A, %mul3A_13 : vector<1024x1xf32>
    %add3A_14 = arith.constant 1.39698386E-21 : f32
    %add3A_15 = vector.broadcast %add3A_14 : f32 to vector<1024x1xf32>
    %add3A_16 = arith.addf %add3A, %add3A_15 : vector<1024x1xf32>
    %mul3A_17 = arith.constant 7.62939451E-12 : f32
    %mul3A_18 = vector.broadcast %mul3A_17 : f32 to vector<1024x1xf32>
    %mul3A_19 = arith.mulf %mul3A_18, %broadcast_in_dim3A_10 : vector<1024x1xf32>
    %sub3A = arith.subf %broadcast_in_dim3A, %mul3A_19 : vector<1024x1xf32>
    %broadcast_in_dim3A_20 = arith.constant 1.000000e+00 : f32
    %broadcast_in_dim3A_21 = vector.broadcast %broadcast_in_dim3A_20 : f32 to vector<1024x1xf32>
    %mul3A_22 = arith.constant -2.000000e+00 : f32
    %mul3A_23 = vector.broadcast %mul3A_22 : f32 to vector<1024x96xf32>
    %mul3A_24 = arith.mulf %mul3A_23, %mul3A_5 : vector<1024x96xf32>
    %concatenate3A = tpu.concatenate %mul3A_24, %add3A_16, %broadcast_in_dim3A_21 in 1 : vector<1024x96xf32>, vector<1024x1xf32>, vector<1024x1xf32> -> vector<1024x98xf32>
    %concatenate3A_25 = tpu.concatenate %mul3A_5, %broadcast_in_dim3A_21, %sub3A in 1 : vector<1024x96xf32>, vector<1024x1xf32>, vector<1024x1xf32> -> vector<1024x98xf32>
    %dot_general3A = arith.constant dense<0.000000e+00> : vector<1024x1024xf32>
    %dot_general3A_26 = tpu.matmul %concatenate3A, %concatenate3A_25, %dot_general3A {dimension_numbers = #tpu.dot_dimension_numbers<[1], [1], [0], [0], [0, 0, 1, 0], [], []>, transpose_lhs_hint = false} : vector<1024x98xf32>, vector<1024x98xf32>, vector<1024x1024xf32> -> vector<1024x1024xf32>
    %max3A = arith.constant 1.000000e-36 : f32
    %max3A_27 = vector.broadcast %max3A : f32 to vector<1024x1024xf32>
    %max3A_28 = arith.maximumf %dot_general3A_26, %max3A_27 : vector<1024x1024xf32>
    %rsqrt3A = math.rsqrt %max3A_28 : vector<1024x1024xf32>
    %mul3A_29 = arith.mulf %max3A_28, %rsqrt3A : vector<1024x1024xf32>
    %get3A_30 = arith.constant 0 : index
    %get3A_31 = arith.constant 0 : index
    %get3A_32 = arith.constant 0 : index
    %get3A_33 = vector.load %arg2[%get3A_30, %get3A_31, %get3A_32] : memref<1x1x1024xf32, #tpu.memory_space<vmem>>, vector<1x1x1024xf32>
    %get3A_34 = vector.shape_cast %get3A_33 : vector<1x1x1024xf32> to vector<1x1024xf32>
    %eq3A = arith.constant 0.000000e+00 : f32
    %eq3A_35 = vector.broadcast %eq3A : f32 to vector<1x1024xf32>
    %eq3A_36 = arith.cmpf oeq, %get3A_34, %eq3A_35 : vector<1x1024xf32>
    %convert_element_type3A = arith.extui %eq3A_36 : vector<1x1024xi1> to vector<1x1024xi32>
    %convert_element_type3A_37 = arith.sitofp %convert_element_type3A : vector<1x1024xi32> to vector<1x1024xf32>
    %eq3A_38 = arith.constant 1.000000e+00 : f32
    %eq3A_39 = vector.broadcast %eq3A_38 : f32 to vector<1x1024xf32>
    %eq3A_40 = arith.cmpf oeq, %get3A_34, %eq3A_39 : vector<1x1024xf32>
    %convert_element_type3A_41 = arith.extui %eq3A_40 : vector<1x1024xi1> to vector<1x1024xi32>
    %convert_element_type3A_42 = arith.sitofp %convert_element_type3A_41 : vector<1x1024xi32> to vector<1x1024xf32>
    %eq3A_43 = arith.constant 2.000000e+00 : f32
    %eq3A_44 = vector.broadcast %eq3A_43 : f32 to vector<1x1024xf32>
    %eq3A_45 = arith.cmpf oeq, %get3A_34, %eq3A_44 : vector<1x1024xf32>
    %convert_element_type3A_46 = arith.extui %eq3A_45 : vector<1x1024xi1> to vector<1x1024xi32>
    %convert_element_type3A_47 = arith.sitofp %convert_element_type3A_46 : vector<1x1024xi32> to vector<1x1024xf32>
    %concatenate3A_48 = tpu.concatenate %convert_element_type3A_37, %convert_element_type3A_42, %convert_element_type3A_47 in 0 : vector<1x1024xf32>, vector<1x1024xf32>, vector<1x1024xf32> -> vector<3x1024xf32>
    %mul3A_49 = arith.constant 7.62939453E-6 : f32
    %mul3A_50 = vector.broadcast %mul3A_49 : f32 to vector<1x1024xf32>
    %mul3A_51 = arith.mulf %mul3A_50, %convert_element_type3A_42 : vector<1x1024xf32>
    %mul3A_52 = arith.constant 5.7220459E-5 : f32
    %mul3A_53 = vector.broadcast %mul3A_52 : f32 to vector<1x1024xf32>
    %mul3A_54 = arith.mulf %mul3A_53, %convert_element_type3A_47 : vector<1x1024xf32>
    %add3A_55 = arith.addf %mul3A_51, %mul3A_54 : vector<1x1024xf32>
    %mul3A_56 = arith.constant 7.62939453E-6 : f32
    %mul3A_57 = vector.broadcast %mul3A_56 : f32 to vector<1x1024xf32>
    %mul3A_58 = arith.mulf %mul3A_57, %convert_element_type3A_37 : vector<1x1024xf32>
    %mul3A_59 = arith.constant 6.48498535E-5 : f32
    %mul3A_60 = vector.broadcast %mul3A_59 : f32 to vector<1x1024xf32>
    %mul3A_61 = arith.mulf %mul3A_60, %convert_element_type3A_47 : vector<1x1024xf32>
    %add3A_62 = arith.addf %mul3A_58, %mul3A_61 : vector<1x1024xf32>
    %mul3A_63 = arith.constant 5.7220459E-5 : f32
    %mul3A_64 = vector.broadcast %mul3A_63 : f32 to vector<1x1024xf32>
    %mul3A_65 = arith.mulf %mul3A_64, %convert_element_type3A_37 : vector<1x1024xf32>
    %mul3A_66 = arith.constant 6.48498535E-5 : f32
    %mul3A_67 = vector.broadcast %mul3A_66 : f32 to vector<1x1024xf32>
    %mul3A_68 = arith.mulf %mul3A_67, %convert_element_type3A_42 : vector<1x1024xf32>
    %add3A_69 = arith.addf %mul3A_65, %mul3A_68 : vector<1x1024xf32>
    %concatenate3A_70 = tpu.concatenate %add3A_55, %add3A_62, %add3A_69 in 0 : vector<1x1024xf32>, vector<1x1024xf32>, vector<1x1024xf32> -> vector<3x1024xf32>
    %dot_general3A_71 = arith.constant dense<0.000000e+00> : vector<1024x1024xf32>
    %dot_general3A_72 = tpu.matmul %concatenate3A_48, %concatenate3A_70, %dot_general3A_71 {dimension_numbers = #tpu.dot_dimension_numbers<[0], [0], [1], [1], [0, 1, 1, 1], [], []>, transpose_lhs_hint = false} : vector<3x1024xf32>, vector<3x1024xf32>, vector<1024x1024xf32> -> vector<1024x1024xf32>
    %sub3A_73 = arith.subf %dot_general3A_72, %mul3A_29 : vector<1024x1024xf32>
    %abs3A = math.absf %sub3A_73 : vector<1024x1024xf32>
    %slice3A = vector.extract_strided_slice %abs3A {offsets = [0, 0], sizes = [1024, 128], strides = [1, 1]} : vector<1024x1024xf32> to vector<1024x128xf32>
    %swap3A = arith.constant 0 : index
    %swap3A_74 = arith.constant 0 : index
    %swap3A_75 = arith.constant 0 : index
    %swap3A_76 = arith.constant 0 : index
    %swap3A_77 = vector.load %arg3[%swap3A, %swap3A_74, %swap3A_75, %swap3A_76] : memref<1x8x1024x128xf32, #tpu.memory_space<vmem>>, vector<1x1x1024x128xf32>
    %swap3A_78 = vector.shape_cast %swap3A_77 : vector<1x1x1024x128xf32> to vector<1024x128xf32>
    %swap3A_79 = vector.shape_cast %slice3A : vector<1024x128xf32> to vector<1x1x1024x128xf32>
    tpu.vector_store %arg3[%swap3A, %swap3A_74, %swap3A_75, %swap3A_76], %swap3A_79 {strides = array<i32>} : memref<1x8x1024x128xf32, #tpu.memory_space<vmem>>, vector<1x1x1024x128xf32>,
    %slice3A_80 = vector.extract_strided_slice %abs3A {offsets = [0, 128], sizes = [1024, 128], strides = [1, 1]} : vector<1024x1024xf32> to vector<1024x128xf32>
    %swap3A_81 = arith.constant 0 : index
    %swap3A_82 = arith.constant 1 : index
    %swap3A_83 = arith.constant 0 : index
    %swap3A_84 = arith.constant 0 : index
    %swap3A_85 = vector.load %arg3[%swap3A_81, %swap3A_82, %swap3A_83, %swap3A_84] : memref<1x8x1024x128xf32, #tpu.memory_space<vmem>>, vector<1x1x1024x128xf32>
    %swap3A_86 = vector.shape_cast %swap3A_85 : vector<1x1x1024x128xf32> to vector<1024x128xf32>
    %swap3A_87 = vector.shape_cast %slice3A_80 : vector<1024x128xf32> to vector<1x1x1024x128xf32>
    tpu.vector_store %arg3[%swap3A_81, %swap3A_82, %swap3A_83, %swap3A_84], %swap3A_87 {strides = array<i32>} : memref<1x8x1024x128xf32, #tpu.memory_space<vmem>>, vector<1x1x1024x128xf32>,
    %slice3A_88 = vector.extract_strided_slice %abs3A {offsets = [0, 256], sizes = [1024, 128], strides = [1, 1]} : vector<1024x1024xf32> to vector<1024x128xf32>
    %swap3A_89 = arith.constant 0 : index
    %swap3A_90 = arith.constant 2 : index
    %swap3A_91 = arith.constant 0 : index
    %swap3A_92 = arith.constant 0 : index
    %swap3A_93 = vector.load %arg3[%swap3A_89, %swap3A_90, %swap3A_91, %swap3A_92] : memref<1x8x1024x128xf32, #tpu.memory_space<vmem>>, vector<1x1x1024x128xf32>
    %swap3A_94 = vector.shape_cast %swap3A_93 : vector<1x1x1024x128xf32> to vector<1024x128xf32>
    %swap3A_95 = vector.shape_cast %slice3A_88 : vector<1024x128xf32> to vector<1x1x1024x128xf32>
    tpu.vector_store %arg3[%swap3A_89, %swap3A_90, %swap3A_91, %swap3A_92], %swap3A_95 {strides = array<i32>} : memref<1x8x1024x128xf32, #tpu.memory_space<vmem>>, vector<1x1x1024x128xf32>,
    %slice3A_96 = vector.extract_strided_slice %abs3A {offsets = [0, 384], sizes = [1024, 128], strides = [1, 1]} : vector<1024x1024xf32> to vector<1024x128xf32>
    %swap3A_97 = arith.constant 0 : index
    %swap3A_98 = arith.constant 3 : index
    %swap3A_99 = arith.constant 0 : index
    %swap3A_100 = arith.constant 0 : index
    %swap3A_101 = vector.load %arg3[%swap3A_97, %swap3A_98, %swap3A_99, %swap3A_100] : memref<1x8x1024x128xf32, #tpu.memory_space<vmem>>, vector<1x1x1024x128xf32>
    %swap3A_102 = vector.shape_cast %swap3A_101 : vector<1x1x1024x128xf32> to vector<1024x128xf32>
    %swap3A_103 = vector.shape_cast %slice3A_96 : vector<1024x128xf32> to vector<1x1x1024x128xf32>
    tpu.vector_store %arg3[%swap3A_97, %swap3A_98, %swap3A_99, %swap3A_100], %swap3A_103 {strides = array<i32>} : memref<1x8x1024x128xf32, #tpu.memory_space<vmem>>, vector<1x1x1024x128xf32>,
    %slice3A_104 = vector.extract_strided_slice %abs3A {offsets = [0, 512], sizes = [1024, 128], strides = [1, 1]} : vector<1024x1024xf32> to vector<1024x128xf32>
    %swap3A_105 = arith.constant 0 : index
    %swap3A_106 = arith.constant 4 : index
    %swap3A_107 = arith.constant 0 : index
    %swap3A_108 = arith.constant 0 : index
    %swap3A_109 = vector.load %arg3[%swap3A_105, %swap3A_106, %swap3A_107, %swap3A_108] : memref<1x8x1024x128xf32, #tpu.memory_space<vmem>>, vector<1x1x1024x128xf32>
    %swap3A_110 = vector.shape_cast %swap3A_109 : vector<1x1x1024x128xf32> to vector<1024x128xf32>
    %swap3A_111 = vector.shape_cast %slice3A_104 : vector<1024x128xf32> to vector<1x1x1024x128xf32>
    tpu.vector_store %arg3[%swap3A_105, %swap3A_106, %swap3A_107, %swap3A_108], %swap3A_111 {strides = array<i32>} : memref<1x8x1024x128xf32, #tpu.memory_space<vmem>>, vector<1x1x1024x128xf32>,
    %slice3A_112 = vector.extract_strided_slice %abs3A {offsets = [0, 640], sizes = [1024, 128], strides = [1, 1]} : vector<1024x1024xf32> to vector<1024x128xf32>
    %swap3A_113 = arith.constant 0 : index
    %swap3A_114 = arith.constant 5 : index
    %swap3A_115 = arith.constant 0 : index
    %swap3A_116 = arith.constant 0 : index
    %swap3A_117 = vector.load %arg3[%swap3A_113, %swap3A_114, %swap3A_115, %swap3A_116] : memref<1x8x1024x128xf32, #tpu.memory_space<vmem>>, vector<1x1x1024x128xf32>
    %swap3A_118 = vector.shape_cast %swap3A_117 : vector<1x1x1024x128xf32> to vector<1024x128xf32>
    %swap3A_119 = vector.shape_cast %slice3A_112 : vector<1024x128xf32> to vector<1x1x1024x128xf32>
    tpu.vector_store %arg3[%swap3A_113, %swap3A_114, %swap3A_115, %swap3A_116], %swap3A_119 {strides = array<i32>} : memref<1x8x1024x128xf32, #tpu.memory_space<vmem>>, vector<1x1x1024x128xf32>,
    %slice3A_120 = vector.extract_strided_slice %abs3A {offsets = [0, 768], sizes = [1024, 128], strides = [1, 1]} : vector<1024x1024xf32> to vector<1024x128xf32>
    %swap3A_121 = arith.constant 0 : index
    %swap3A_122 = arith.constant 6 : index
    %swap3A_123 = arith.constant 0 : index
    %swap3A_124 = arith.constant 0 : index
    %swap3A_125 = vector.load %arg3[%swap3A_121, %swap3A_122, %swap3A_123, %swap3A_124] : memref<1x8x1024x128xf32, #tpu.memory_space<vmem>>, vector<1x1x1024x128xf32>
    %swap3A_126 = vector.shape_cast %swap3A_125 : vector<1x1x1024x128xf32> to vector<1024x128xf32>
    %swap3A_127 = vector.shape_cast %slice3A_120 : vector<1024x128xf32> to vector<1x1x1024x128xf32>
    tpu.vector_store %arg3[%swap3A_121, %swap3A_122, %swap3A_123, %swap3A_124], %swap3A_127 {strides = array<i32>} : memref<1x8x1024x128xf32, #tpu.memory_space<vmem>>, vector<1x1x1024x128xf32>,
    %slice3A_128 = vector.extract_strided_slice %abs3A {offsets = [0, 896], sizes = [1024, 128], strides = [1, 1]} : vector<1024x1024xf32> to vector<1024x128xf32>
    %swap3A_129 = arith.constant 0 : index
    %swap3A_130 = arith.constant 7 : index
    %swap3A_131 = arith.constant 0 : index
    %swap3A_132 = arith.constant 0 : index
    %swap3A_133 = vector.load %arg3[%swap3A_129, %swap3A_130, %swap3A_131, %swap3A_132] : memref<1x8x1024x128xf32, #tpu.memory_space<vmem>>, vector<1x1x1024x128xf32>
    %swap3A_134 = vector.shape_cast %swap3A_133 : vector<1x1x1024x128xf32> to vector<1024x128xf32>
    %swap3A_135 = vector.shape_cast %slice3A_128 : vector<1024x128xf32> to vector<1x1x1024x128xf32>
    tpu.vector_store %arg3[%swap3A_129, %swap3A_130, %swap3A_131, %swap3A_132], %swap3A_135 {strides = array<i32>} : memref<1x8x1024x128xf32, #tpu.memory_space<vmem>>, vector<1x1x1024x128xf32>,
    return
  }
  func.func @transform_0(%arg0: i32) -> (i32, i32, i32) {
    %add3A = arith.constant 0 : i32
    %add3A_0 = arith.addi %arg0, %add3A : i32
    %c0_i32 = arith.constant 0 : i32
    %c0_i32_1 = arith.constant 0 : i32
    %c0_i32_2 = arith.constant 0 : i32
    return %add3A_0, %c0_i32, %c0_i32_1 : i32, i32, i32
  }
  func.func @transform_1(%arg0: i32) -> (i32, i32, i32) {
    %add3A = arith.constant 0 : i32
    %add3A_0 = arith.addi %arg0, %add3A : i32
    %c0_i32 = arith.constant 0 : i32
    %c0_i32_1 = arith.constant 0 : i32
    %c0_i32_2 = arith.constant 0 : i32
    return %add3A_0, %c0_i32, %c0_i32_1 : i32, i32, i32
  }
  func.func @transform_2(%arg0: i32) -> (i32, i32, i32, i32) {
    %c0_i32 = arith.constant 0 : i32
    %c0_i32_0 = arith.constant 0 : i32
    %c0_i32_1 = arith.constant 0 : i32
    %c0_i32_2 = arith.constant 0 : i32
    return %arg0, %c0_i32, %c0_i32_0, %c0_i32_1 : i32, i32, i32, i32
  }
}

</mosaic_0001>

<sc_bundles>
// kernel: kernel.6.cloned.1.call-start
scs
__scs_entry_jumppad:
0x0: {  	(pc) =	sbr.rel $0x88, $3  }
0x1: {  	(tag) =	ssettag $0x0;
	lr =	simm.s32 $0x1  }
0x2: {  	[smem:$0x3F9D] =	sst lr;
	_ =	strace $0xD0000000  }
0x3: {  	_ = 	snop  }
0x4: {  	_ = 	snop  }
0x5: {  	_ = 	snop  }
0x6: {  	_ = 	snop  }
0x7: {  	_ = 	snop  }
__scs_overlays_trampoline_lowered:
0x8: {  	[smem:$0x3FAC] =	sst s0  }
0x9: {  	[smem:$0x3FAD] =	sst s1  }
0xa: {  	[smem:$0x3FAE] =	sst s2  }
0xb: {  	[smem:$0x3FAF] =	sst s3  }
0xc: {  	[smem:$0x3FB0] =	sst s4  }
0xd: {  	[smem:$0x3FB1] =	sst s5  }
0xe: {  	[smem:$0x3FB2] =	sst s6  }
0xf: {  	[smem:$0x3FB3] =	sst s7  }
0x10: {  	[smem:$0x3FB4] =	sst s8  }
0x11: {  	[smem:$0x3FB5] =	sst s9;
	s0 =	simm.s32 @!p0 $0x0  }
0x12: {  	s1 =	sld [smem:$0x3F9B];
	s0 =	simm.s32 @p0 $0x1  }
0x13: {  	[smem:$0x3FB6] =	sst s0;
	s0 =	simm.s32 @!p1 $0x0  }
0x14: {  	s2 =	sld [smem:$0x3F9A];
	s0 =	simm.s32 @p1 $0x1  }
0x15: {  	[smem:$0x3FB7] =	sst s0;
	s0 =	simm.s32 @!p2 $0x0  }
0x16: {  	s3 =	sld [smem:$0x3FDB];
	s0 =	simm.s32 @p2 $0x1  }
0x17: {  	s4 =	simm.s32 $0x1BF5;
	[smem:$0x3FB9] =	sst s0  }
0x18: {  	s0 =	sld [smem:$0x3F9C];
	_ =	swait.ge [sflag:s4], $0x0  }
0x19: {  	s7 =	sld [smem:$0x3F9D]  }
0x1a: {  	s8 =	sadd.s32 $0xFFFFE003, lr  }
0x1b: {  	s9 =	sadd.s32 $0xFFFFFEF7, lr;
	s5 =	simm.s32 $0xFFFFFFFF;
	p2 =	slt.u32 s8, $0xFFFFF086  }
0x1c: {  	p1 =	slt.u32 s9, $0xF7A;
	s5 =	simm.s32 @!p2 $0x0  }
0x1d: {  	s5 =	simm.s32 @p1 $0x1;
	p0 =	seq.s32 s7, s2  }
0x1e: {  	s7 =	smul.u32 @!p0 $0xF7A, s2;
	p2 =	seq.s32 @!p0 s5, $0x0  }
0x1f: {  	s9 =	smul.u32 $0xF7A, s1;
	s8 =	simm.s32 @!p0 $0x1BF5;
	p2 =	por !p2, p0  }
0x20: {  	[sflag:s8] =	ssyncset.s32 @!p0 $0xFFFFF086;
	s6 =	sadd.s32 @!p0 s3, s7;
	s7 =	simm.s32 @!p0 $0x108  }
0x21: {  	s3 =	sadd.s32 s3, s9;
	s6 =	sadd.s32 @!p0 $0x88, s6;
	s7 =	simm.s32 @p2 $0x1082  }
0x22: {  	[simem:s7], [sflag:s8] =	dma.local @!p0 [hbm:s6], $0xF7A  }
0x23: {  	s9 =	sor.u32 $0xD0000000, s2;
	s6 =	simm.s32 $0x108;
	_ =	swait.ge @!p0 [sflag:s8], $0x0  }
0x24: {  	s3 =	sadd.s32 $0x88, s3;
	s6 =	simm.s32 @!p1 $0x1082;
	[sflag:s4] =	ssyncset.s32 $0xFFFFF086  }
0x25: {  	[simem:s6], [sflag:s4] =	dma.local [hbm:s3], $0xF7A  }
0x26: {  	[smem:$0x3F9D] =	sst s1;
	(tag) =	ssettag s2;
	_ =	strace s9  }
0x27: {  	s1 =	sld [smem:$0x3FAD]  }
0x28: {  	s2 =	sld [smem:$0x3FAE]  }
0x29: {  	s4 =	sld [smem:$0x3FB0]  }
0x2a: {  	p0 =	seq.s32 s5, $0x0;
	s5 =	sld [smem:$0x3FB1]  }
0x2b: {  	s6 =	sld [smem:$0x3FB2]  }
0x2c: {  	s7 =	sld [smem:$0x3FB3]  }
0x2d: {  	s3 =	simm.s32 $0x108;
	s8 =	sld [smem:$0x3FB4]  }
0x2e: {  	s3 =	simm.s32 @!p0 $0x1082;
	s9 =	sld [smem:$0x3FB5]  }
0x2f: {  	lr =	sadd.s32 s0, s3;
	s0 =	sld [smem:$0x3FAC]  }
0x30: {  	s3 =	sld [smem:$0x3FAF]  }
0x31: {  	[smem:$0x3FB8] =	sst s10  }
0x32: {  	s10 =	sld [smem:$0x3FB6];
	_ =	sdelay $0x3  }
0x33: {  	p0 =	seq.s32 s10, $0x1;
	s10 =	sld [smem:$0x3FB8];
	_ =	sdelay $0x3  }
0x34: {  	[smem:$0x3FB8] =	sst s10  }
0x35: {  	s10 =	sld [smem:$0x3FB7];
	_ =	sdelay $0x3  }
0x36: {  	p1 =	seq.s32 s10, $0x1;
	s10 =	sld [smem:$0x3FB8];
	_ =	sdelay $0x3  }
0x37: {  	[smem:$0x3FB8] =	sst s10  }
0x38: {  	s10 =	sld [smem:$0x3FB9]  }
0x39: {  	_ = 	snop;
	(pc) =	sbr.ind lr, $3  }
0x3a: {  	_ = 	snop  }
0x3b: {  	_ = 	snop  }
0x3c: {  	p2 =	seq.s32 s10, $0x1;
	s10 =	sld [smem:$0x3FB8]  }
0x3d: {  	_ =	shalt  }
0x3e: {  	_ =	shalt  }
0x3f: {  	_ =	shalt  }
0x40: {  	_ =	shalt  }
0x41: {  	_ =	shalt  }
0x42: {  	_ =	shalt  }
0x43: {  	_ =	shalt  }
0x44: {  	_ =	shalt  }
0x45: {  	_ =	shalt  }
0x46: {  	_ =	shalt  }
0x47: {  	_ =	shalt  }
0x48: {  	_ =	shalt  }
0x49: {  	_ =	shalt  }
0x4a: {  	_ =	shalt  }
0x4b: {  	_ =	shalt  }
0x4c: {  	_ =	shalt  }
0x4d: {  	_ =	shalt  }
0x4e: {  	_ =	shalt  }
0x4f: {  	_ =	shalt  }
0x50: {  	_ =	shalt  }
0x51: {  	_ =	shalt  }
0x52: {  	_ =	shalt  }
0x53: {  	_ =	shalt  }
0x54: {  	_ =	shalt  }
0x55: {  	_ =	shalt  }
0x56: {  	_ =	shalt  }
0x57: {  	_ =	shalt  }
0x58: {  	_ =	shalt  }
0x59: {  	_ =	shalt  }
0x5a: {  	_ =	shalt  }
0x5b: {  	_ =	shalt  }
0x5c: {  	_ =	shalt  }
0x5d: {  	_ =	shalt  }
0x5e: {  	_ =	shalt  }
0x5f: {  	_ =	shalt  }
0x60: {  	_ =	shalt  }
0x61: {  	_ =	shalt  }
0x62: {  	_ =	shalt  }
0x63: {  	_ =	shalt  }
0x64: {  	_ =	shalt  }
0x65: {  	_ =	shalt  }
0x66: {  	_ =	shalt  }
0x67: {  	_ =	shalt  }
0x68: {  	_ =	shalt  }
0x69: {  	_ =	shalt  }
0x6a: {  	_ =	shalt  }
0x6b: {  	_ =	shalt  }
0x6c: {  	_ =	shalt  }
0x6d: {  	_ =	shalt  }
0x6e: {  	_ =	shalt  }
0x6f: {  	_ =	shalt  }
0x70: {  	_ =	shalt  }
0x71: {  	_ =	shalt  }
0x72: {  	_ =	shalt  }
0x73: {  	_ =	shalt  }
0x74: {  	_ =	shalt  }
0x75: {  	_ =	shalt  }
0x76: {  	_ =	shalt  }
0x77: {  	_ =	shalt  }
0x78: {  	_ =	shalt  }
0x79: {  	_ =	shalt  }
0x7a: {  	_ =	shalt  }
0x7b: {  	_ =	shalt  }
0x7c: {  	_ =	shalt  }
0x7d: {  	_ =	shalt  }
0x7e: {  	_ =	shalt  }
0x7f: {  	_ =	shalt  }
0x80: {  	_ =	shalt  }
0x81: {  	_ =	shalt  }
0x82: {  	_ =	shalt  }
0x83: {  	_ =	shalt  }
0x84: {  	_ =	shalt  }
0x85: {  	_ =	shalt  }
0x86: {  	_ =	shalt  }
0x87: {  	_ =	shalt  }
.Lfunc_end0:
.L_simem_size_0:
called_computation_lowered:
.L_overlay_start_0:
0x88: {  	s2 =	sld [smem:$0x3FD9]  }
0x89: {  	s3 =	sld [smem:$0x3FFE];
	_ =	sdelay $0x1  }
0x8a: {  	s1 =	srdreg.scid  }
0x8b: {  	s0 =	sand.u32 $0x1, s1  }
0x8c: {  	s17 =	sshll.u32 s0, $0xA;
	s2 =	sadd.s32 s3, s2  }
0x8d: {  	s2 =	sadd.s32 s2, s17  }
0x8e: {  	[smem:$0x3FC4] =	sst s2  }
0x8f: {  	_ = 	snop  }
0x90: {  	s18 =	sld [smem:$0x3FC8]  }
0x91: {  	s4 =	sld [smem:$0x3FC6];
	(tm) =	ssettm $0x1  }
0x92: {  	s19 =	sld [smem:$0x3FFB];
	_ =	sdelay $0x3  }
0x93: {  	_ =	strace s19  }
0x94: {  	s2 =	sld [smem:$0x3FFC];
	_ =	sdelay $0x3  }
0x95: {  	_ =	strace s2  }
0x96: {  	s2 =	sld [smem:$0x3FFD];
	_ =	sdelay $0x3  }
0x97: {  	_ =	strace s2  }
0x98: {  	_ =	strace $0x8FFFFFFF  }
0x99: {  	s20 =	sld [smem:$0x3FDB];
	_ =	sdelay $0x1  }
0x9a: {  	s5 =	simm.s32 $_scs_section_size  }
0x9b: {  	s6 =	simm.s32 $_size__tile_overlayer_lowered;
	s7 =	simm.s32 $_tile_overlayer_lowered  }
0x9c: {  	s8 =	simm.s32 $0x1BFF;
	s21 =	sshll.u32 s7, $0x1;
	s5 =	sadd.s32 s5, s20  }
0x9d: {  	s22 =	simm.s32 $0x0;
	s6 =	sshll.u32 s6, $0x1;
	s7 =	sadd.s32 s21, s5  }
0x9e: {  	[timem:s22], [sflag:s8] =	dma.local [hbm:s7], s6  }
0x9f: {  	_ =	swait.ge [sflag:s8], s6  }
0xa0: {  	s6 =	ssub.s32 $0x0, s6;
	[sflag:s8] =	ssyncset.done $0x0  }
0xa1: {  	[sflag:s8] =	ssyncadd.s32 s6;
	_ =	sdelay $0x1  }
0xa2: {  	s23 =	simm.s32 $0x1B8B  }
0xa3: {  	_ =	swait.ge [sflag:s23], $0x1  }
0xa4: {  	[sflag:s23] =	ssyncset.done $0x0  }
0xa5: {  	[sflag:s23] =	ssyncadd.s32 $0xFFFFFFFF  }
0xa6: {  	s6 =	sld [smem:$0x0]  }
0xa7: {  	s7 =	sand.u32 $0xFFFFFFFE, s1  }
0xa8: {  	p0 =	sne.s32 s1, s7  }
0xa9: {  	s7 =	sshll.u32 @p0 s7, $0xE  }
0xaa: {  	s7 =	sadd.s32 @p0 $0x11B8D, s7;
	s8 =	sshll.u32 @p0 s6, $0x11  }
0xab: {  	s7 =	sor.u32 @p0 s8, s7  }
0xac: {  	[sflag:s7] =	ssyncadd.remote.s32 @p0 $0x1;
	_ =	sdelay $0x1  }
0xad: {  	s7 =	simm.s32 @p0 $0x1B8D  }
0xae: {  	_ =	swait.eq @p0 [sflag:s7], $0x1  }
0xaf: {  	[sflag:s7] =	ssyncadd.s32 @p0 $0xFFFFFFFF  }
0xb0: {  	s8 =	sshll.u32 @!p0 s1, $0xE  }
0xb1: {  	s8 =	sor.u32 @!p0 $0x4000, s8;
	s7 =	simm.s32 @!p0 $0x1B8D  }
0xb2: {  	s6 =	sshll.u32 @!p0 s6, $0x11;
	s8 =	sadd.s32 @!p0 $0x11B8D, s8;
	_ =	swait.eq @!p0 [sflag:s7], $0x1  }
0xb3: {  	s6 =	sor.u32 @!p0 s6, s8;
	[sflag:s7] =	ssyncadd.s32 @!p0 $0xFFFFFFFF  }
0xb4: {  	s25 =	simm.s32 $0x1B8E;
	s24 =	sld [smem:$0x3FFE];
	[sflag:s6] =	ssyncadd.remote.s32 @!p0 $0x1  }
0xb5: {  	s26 =	simm.s32 $execute0_lowered;
	[smem:$0x3FD2] =	sst s25  }
0xb6: {  	s7 =	sshll.u32 s26, $0x1;
	_ =	strace $0x80000049;
	[dreg:$0x1] =	wrdreg $0xFFFFFFFF  }
0xb7: {  	s28 =	simm.s32 $_size_execute0_lowered;
	s5 =	sadd.s32 s5, s7;
	[dreg:$0x0] =	wrdreg $0x0  }
0xb8: {  	s7 =	sshll.u32 s28, $0x1;
	[dreg:$0x2] =	wrdreg s5  }
0xb9: {  	[dreg:$0x3] =	wrdreg s7  }
0xba: {  	[dreg:$0x4] =	wrdreg $0xC0  }
0xbb: {  	_ =	task [dreg:s22], $0x5FFFF  }
0xbc: {  	[dreg:$0x1] =	wrdreg $0xFFFFFFFF  }
0xbd: {  	[dreg:$0x0] =	wrdreg $0x60  }
0xbe: {  	[dreg:$0x2] =	wrdreg s18  }
0xbf: {  	[dreg:$0x3] =	wrdreg s4  }
0xc0: {  	[dreg:$0x4] =	wrdreg s24  }
0xc1: {  	[dreg:$0x5] =	wrdreg $0x9  }
0xc2: {  	_ =	task.clear_ibuf [dreg:s22], $0x6FFFF;
	_ =	strace $0x90000049  }
0xc3: {  	s29 =	simm.s32 $0x9;
	_ =	strace $0x8000004B  }
0xc4: {  	_ =	swait.ge [sflag:s29], $0x1  }
0xc5: {  	[sflag:s29] =	ssyncadd.s32 $0xFFFFFFFF  }
0xc6: {  	_ =	strace $0x9000004B  }
0xc7: {  	_ =	sfence  }
0xc8: {  	s30 =	sld [smem:$0x0];
	_ =	sdelay $0x2  }
0xc9: {  	s31 =	sshll.u32 s1, $0xD;
	s1 =	sshrl.u32 s1, $0x2  }
0xca: {  	s4 =	sand.u32 $0x4000, s31;
	s1 =	sadd.s32 s1, s30  }
0xcb: {  	s0 =	sor.u32 s4, s0;
	s1 =	sshll.u32 s1, $0x11  }
0xcc: {  	s0 =	sor.u32 s1, s0  }
0xcd: {  	s0 =	sadd.s32 $0x8F2B, s0  }
0xce: {  	[sflag:s0] =	ssyncadd.remote.s32 $0x1  }
0xcf: {  	_ =	sfence.sel $0xFFFF  }
0xd0: {  	[dreg:$0x0] =	wrdreg $0xFFFFFFFF;
	(pc) =	sbr.abs _section_cstart, $3  }
0xd1: {  	[dreg:$0x1] =	wrdreg $0xFFFFFFFF  }
0xd2: {  	_ =	task.clear_ibuf [dreg:s22], $0x2FFFF;
	_ =	strace $0x9FFFFFFF  }
0xd3: {  	(tm) =	ssettm $0x7FFFFFFF  }
tec
execute0_lowered:
.L_overlay_start_1:
0x0: {  	(tag) =	ssettag $0x1  }
0x1: {  	s4 =	rddreg [dreg:$0x0]  }
0x2: {  	s5 =	rddreg [dreg:$0x1]  }
0x3: {  	s6 =	rddreg [dreg:$0x2]  }
0x4: {  	s0 =	rddreg [dreg:$0x3];
	s3 =	srdreg.scid  }
0x5: {  	s1 =	stileid.u32;
	s2 =	simm.s32 $0x0;
	s13 =	simm.s32 $0x400  }
0x6: {  	s14 =	simm.s32 $0x2000;
	s16 =	simm.s32 $0x5000;
	s17 =	simm.s32 $0x0  }
0x7: {  	s7 =	sand.u32 $0x1, s3;
	s25 =	sshll.u32 s1, $0x1;
	[smem:$0x7FF] =	sst s2  }
0x8: {  	s3 =	sadd.s32 $0x100200, s6;
	s10 =	sshrl.u32 s1, $0x1;
	s8 =	sor.u32 s7, s25  }
0x9: {  	_ =	strace $0x8000004A;
	s7 =	ssub.s32 $0x2, s7;
	s28 =	sshll.u32 s10, $0xC  }
0xa: {  	s29 =	sshll.u32 s10, $0x4;
	s15 =	sshll.u32 s10, $0x14;
	s10 =	simm.s32 $0x100  }
0xb: {  	s9 =	sshll.u32 s8, $0x4;
	s26 =	sand.u32 $0x3, s8;
	s12 =	sshrl.u32 s7, $0x1  }
0xc: {  	s30 =	sadd.s32 s5, s29;
	v0 =	vmov s15;
	s15 =	simm.s32 $0x1;
	s9 =	sadd.s32 s9, s6  }
0xd: {  	s11 =	sshll.u32 s26, $0xA;
	s6 =	sshll.u32 s26, $0xC;
	s31 =	ssub.s32 s7, s12  }
0xe: {  	s12 =	simm.s32 $0x1000;
	s8 =	sor.u32 s28, s11;
	s6 =	sadd.s32 s6, s30  }
0xf: {  	s7 =	sadd.s32 $0x200200, s9;
	s9 =	simm.s32 $0x80;
	s4 =	sadd.s32 s4, s8  }
0x10: {  	s11 =	simm.s32 $0x2;
	s8 =	smax.u32 s31, $0x1;
	s5 =	sadd.s32 $0x10, s4  }
.LBB2_1:
0x11: {  	[tilespmem:s2], [sflag:$0x2] =	stream.strided.gather [hbm4b:s4+s9], $0x1000, s10, s9, $0x38;
	[tilespmem:$0x5080] =	vst v63  }
0x12: {  	_ =	swait.ge [sflag:s11], $0x1000  }
0x13: {  	[sflag:s11] =	ssyncset.done $0x0  }
0x14: {  	[sflag:s11] =	ssyncadd.s32 $0xFFFFF000  }
0x15: {  	[tilespmem:s12], [sflag:$0x2] =	stream.strided.gather [hbm4b:s5+s9], $0x1000, s10, s9, $0x38;
	[tilespmem:$0x5080] =	vst v63  }
0x16: {  	_ =	swait.ge [sflag:s11], $0x1000  }
0x17: {  	[sflag:s11] =	ssyncset.done $0x0  }
0x18: {  	[sflag:s11] =	ssyncadd.s32 $0xFFFFF000  }
0x19: {  	[tilespmem:s14], [sflag:$0x2] =	stream.strided.gather [hbm4b:s6+s9], $0x1000, s13, s9, $0x38;
	[tilespmem:$0x5080] =	vst v63  }
0x1a: {  	_ =	swait.ge [sflag:s11], $0x1000  }
0x1b: {  	[sflag:s11] =	ssyncset.done $0x0  }
0x1c: {  	s18 =	simm.s32 $0x0;
	[sflag:s11] =	ssyncadd.s32 $0xFFFFF000  }
0x1d: {  	v1 =	vld [tilespmem:s18+$0x0]  }
0x1e: {  	v2 =	vld [tilespmem:s18+$0x10]  }
0x1f: {  	v3 =	vld [tilespmem:s18+$0x20]  }
0x20: {  	v4 =	vld [tilespmem:s18+$0x30]  }
0x21: {  	v12 =	vld [tilespmem:s18+$0x1010]  }
0x22: {  	v6 =	vld [tilespmem:s18+$0x40]  }
0x23: {  	v7 =	vld [tilespmem:s18+$0x50]  }
0x24: {  	v8 =	vld [tilespmem:s18+$0x60]  }
0x25: {  	v10 =	vld [tilespmem:s18+$0x1000];
	v1 =	vshll.u32 v1, $0x7  }
0x26: {  	v9 =	vld [tilespmem:s18+$0x70];
	v15 =	vshll.u32 v12, $0xA;
	v11 =	vadd.s32 v0, v1;
	v1 =	vshll.u32 v2, $0x7  }
0x27: {  	v12 =	vand.u32 $0x7F, v12;
	v2 =	vshll.u32 v3, $0x7;
	v13 =	vadd.s32 v0, v1  }
0x28: {  	v14 =	vadd.s32 v0, v2;
	v1 =	vshll.u32 v4, $0x7;
	v2 =	vshll.u32 v7, $0x7  }
0x29: {  	v7 =	vld [tilespmem:s18+$0x1020];
	v5 =	vadd.s32 v0, v1;
	v1 =	vshll.u32 v6, $0x7;
	v3 =	vadd.s32 v0, v2  }
0x2a: {  	v6 =	vld [tilespmem:s18+$0x1030];
	v4 =	vadd.s32 v0, v1;
	v1 =	vshll.u32 v8, $0x7;
	v8 =	vshll.u32 v10, $0xA  }
0x2b: {  	v2 =	vadd.s32 v0, v1;
	v1 =	vshll.u32 v9, $0x7;
	v9 =	vand.u32 $0x7F, v10  }
0x2c: {  	v8 =	vand.u32 $0xFFFE0000, v8;
	v1 =	vadd.s32 v0, v1;
	v9 =	vor.u32 v9, v11;
	v11 =	vld [tilespmem:s18+$0x1040]  }
0x2d: {  	v10 =	vadd.s32 v8, v9;
	v8 =	vand.u32 $0xFFFE0000, v15;
	v9 =	vor.u32 v12, v13  }
0x2e: {  	v12 =	vshll.u32 v7, $0xA;
	v7 =	vand.u32 $0x7F, v7;
	v8 =	vadd.s32 v8, v9;
	v9 =	vld [tilespmem:s18+$0x1050]  }
0x2f: {  	s19 =	simm.s32 $0x200;
	v12 =	vand.u32 $0xFFFE0000, v12;
	v13 =	vor.u32 v7, v14;
	v14 =	vshll.u32 v6, $0xA;
	v7 =	vld [tilespmem:s18+$0x1060]  }
.LBB2_2:
0x30: {  	p0 =	sne.s32 s19, $0x3E00;
	v12 =	vadd.s32 v12, v13;
	v13 =	vand.u32 $0xFFFE0000, v14;
	v6 =	vand.u32 $0x7F, v6  }
0x31: {  	v5 =	vor.u32 v6, v5;
	v6 =	vshll.u32 v11, $0xA;
	v11 =	vand.u32 $0x7F, v11;
	v14 =	vld [tilespmem:s18+$0x1070]  }
0x32: {  	[tilespmem:s18+$0x3000] =	vst v10;
	v5 =	vadd.s32 v13, v5;
	v6 =	vand.u32 $0xFFFE0000, v6;
	v4 =	vor.u32 v11, v4  }
0x33: {  	[tilespmem:s18+$0x3010] =	vst v8;
	v4 =	vadd.s32 v6, v4;
	v6 =	vshll.u32 v9, $0xA;
	v8 =	vand.u32 $0x7F, v9  }
0x34: {  	[tilespmem:s18+$0x3020] =	vst v12;
	v6 =	vand.u32 $0xFFFE0000, v6;
	v3 =	vor.u32 v8, v3;
	v8 =	vshll.u32 v7, $0xA  }
0x35: {  	[tilespmem:s18+$0x3030] =	vst v5;
	v3 =	vadd.s32 v6, v3;
	v5 =	vand.u32 $0xFFFE0000, v8;
	v6 =	vand.u32 $0x7F, v7  }
0x36: {  	[tilespmem:s18+$0x3040] =	vst v4;
	v2 =	vor.u32 v6, v2;
	v4 =	vshll.u32 v14, $0xA;
	v6 =	vand.u32 $0x7F, v14  }
0x37: {  	[tilespmem:s18+$0x3050] =	vst v3;
	v2 =	vadd.s32 v5, v2;
	v3 =	vand.u32 $0xFFFE0000, v4;
	v1 =	vor.u32 v6, v1  }
0x38: {  	s20 =	sshra.s32 s19, $0x2;
	s21 =	sadd.s32 $0x3000, s18;
	s22 =	sadd.s32 $0x4000, s18;
	[tilespmem:s18+$0x3060] =	vst v2;
	v1 =	vadd.s32 v3, v1  }
0x39: {  	[tilespmem:s18+$0x3070] =	vst v1;
	[tilespmem:s22], [sflag:$0x1] =	stream.indirect.gather [hbm4b:s3+s9], $0x1, s21, s9, $0xb8  }
0x3a: {  	s18 =	smov.u32 s20;
	v1 =	vld [tilespmem:s20+$0x0]  }
0x3b: {  	v2 =	vld [tilespmem:s18+$0x10]  }
0x3c: {  	v3 =	vld [tilespmem:s18+$0x20]  }
0x3d: {  	v4 =	vld [tilespmem:s18+$0x30]  }
0x3e: {  	v6 =	vld [tilespmem:s18+$0x40]  }
0x3f: {  	v7 =	vld [tilespmem:s18+$0x50]  }
0x40: {  	v8 =	vld [tilespmem:s18+$0x60]  }
0x41: {  	v9 =	vld [tilespmem:s18+$0x70]  }
0x42: {  	v1 =	vshll.u32 v1, $0x7;
	v10 =	vld [tilespmem:s18+$0x1000]  }
0x43: {  	v11 =	vadd.s32 v0, v1;
	v1 =	vshll.u32 v2, $0x7;
	v2 =	vshll.u32 v3, $0x7  }
0x44: {  	v13 =	vadd.s32 v0, v1;
	v14 =	vadd.s32 v0, v2;
	v1 =	vshll.u32 v4, $0x7;
	v12 =	vld [tilespmem:s18+$0x1010]  }
0x45: {  	v5 =	vadd.s32 v0, v1;
	v1 =	vshll.u32 v6, $0x7;
	v2 =	vshll.u32 v7, $0x7  }
0x46: {  	v4 =	vadd.s32 v0, v1;
	v3 =	vadd.s32 v0, v2;
	v1 =	vshll.u32 v8, $0x7;
	v7 =	vld [tilespmem:s18+$0x1020]  }
0x47: {  	v2 =	vadd.s32 v0, v1;
	v1 =	vshll.u32 v9, $0x7;
	v8 =	vshll.u32 v10, $0xA;
	v6 =	vld [tilespmem:s18+$0x1030]  }
.Ltmp0:
0x48: {  	v9 =	vand.u32 $0x7F, v10;
	v1 =	vadd.s32 v0, v1;
	v8 =	vand.u32 $0xFFFE0000, v8;
	(pc) =	sbr.rel @p0 .LBB2_2-.Ltmp0, $4  }
0x49: {  	v9 =	vor.u32 v9, v11;
	v15 =	vshll.u32 v12, $0xA;
	v12 =	vand.u32 $0x7F, v12;
	v11 =	vld [tilespmem:s18+$0x1040]  }
0x4a: {  	v10 =	vadd.s32 v8, v9;
	v8 =	vand.u32 $0xFFFE0000, v15;
	v9 =	vor.u32 v12, v13  }
0x4b: {  	v8 =	vadd.s32 v8, v9;
	v12 =	vshll.u32 v7, $0xA;
	v7 =	vand.u32 $0x7F, v7;
	v9 =	vld [tilespmem:s18+$0x1050]  }
0x4c: {  	s19 =	sadd.s32 $0x200, s19;
	v12 =	vand.u32 $0xFFFE0000, v12;
	v13 =	vor.u32 v7, v14;
	v14 =	vshll.u32 v6, $0xA;
	v7 =	vld [tilespmem:s18+$0x1060]  }
0x4d: {  	v12 =	vadd.s32 v12, v13;
	v59 =	vand.u32 $0xFFFE0000, v14;
	v6 =	vand.u32 $0x7F, v6  }
0x4e: {  	v60 =	vld [tilespmem:s18+$0x1070];
	v5 =	vor.u32 v6, v5;
	v6 =	vshll.u32 v11, $0xA;
	v11 =	vand.u32 $0x7F, v11  }
0x4f: {  	[tilespmem:s18+$0x3000] =	vst v10;
	v5 =	vadd.s32 v59, v5;
	v6 =	vand.u32 $0xFFFE0000, v6;
	v4 =	vor.u32 v11, v4  }
0x50: {  	[tilespmem:s18+$0x3010] =	vst v8;
	v4 =	vadd.s32 v6, v4;
	v6 =	vshll.u32 v9, $0xA;
	v8 =	vand.u32 $0x7F, v9  }
0x51: {  	[tilespmem:s18+$0x3020] =	vst v12;
	v6 =	vand.u32 $0xFFFE0000, v6;
	v3 =	vor.u32 v8, v3;
	v8 =	vshll.u32 v7, $0xA  }
0x52: {  	[tilespmem:s18+$0x3030] =	vst v5;
	v3 =	vadd.s32 v6, v3;
	v5 =	vand.u32 $0xFFFE0000, v8;
	v6 =	vand.u32 $0x7F, v7  }
0x53: {  	[tilespmem:s18+$0x3040] =	vst v4;
	v4 =	vshll.u32 v60, $0xA;
	v2 =	vor.u32 v6, v2;
	v6 =	vand.u32 $0x7F, v60  }
0x54: {  	[tilespmem:s18+$0x3050] =	vst v3;
	v3 =	vand.u32 $0xFFFE0000, v4;
	v2 =	vadd.s32 v5, v2;
	v1 =	vor.u32 v6, v1  }
0x55: {  	[tilespmem:s18+$0x3060] =	vst v2;
	v1 =	vadd.s32 v3, v1  }
0x56: {  	s19 =	sadd.s32 $0x3000, s18;
	s20 =	sadd.s32 $0x4000, s18;
	[tilespmem:s18+$0x3070] =	vst v1  }
0x57: {  	[tilespmem:s20], [sflag:$0x1] =	stream.indirect.gather [hbm4b:s3+s9], $0x1, s19, s9, $0xb8;
	[tilespmem:$0x5080] =	vst v63  }
0x58: {  	_ =	swait.ge [sflag:s15], $0x80  }
0x59: {  	[sflag:s15] =	ssyncset.done $0x0  }
0x5a: {  	s31 =	simm.s32 $0x0;
	[sflag:s15] =	ssyncadd.s32 $0xFFFFFF80  }
0x5b: {  	v2 =	vld [tilespmem:s31+$0x2060]  }
0x5c: {  	v6 =	vld [tilespmem:s31+$0x4060]  }
0x5d: {  	v1 =	vld [tilespmem:s31+$0x2050]  }
0x5e: {  	v4 =	vld [tilespmem:s31+$0x4050]  }
0x5f: {  	v5 =	vld [tilespmem:s31+$0x2040]  }
0x60: {  	v7 =	vld [tilespmem:s31+$0x4040]  }
0x61: {  	v3 =	vld [tilespmem:s31+$0x2030]  }
0x62: {  	v8 =	vld [tilespmem:s31+$0x4030]  }
0x63: {  	v9 =	vld [tilespmem:s31+$0x2020]  }
0x64: {  	v10 =	vld [tilespmem:s31+$0x4020]  }
0x65: {  	v61 =	vld [tilespmem:s31+$0x2070]  }
0x66: {  	v11 =	vld [tilespmem:s31+$0x4010]  }
0x67: {  	v62 =	vld [tilespmem:s31+$0x2010]  }
0x68: {  	v63 =	vld [tilespmem:s31+$0x4000]  }
0x69: {  	v15 =	vld [tilespmem:s31+$0x2000]  }
0x6a: {  	v16 =	vld [tilespmem:s31+$0x4070]  }
0x6b: {  	_ =	swait.ge [sflag:s15], $0x80  }
0x6c: {  	[sflag:s15] =	ssyncset.done $0x0;
	v3 =	vmul.f32 v3, v8;
	v8 =	vmul.f32 v9, v10  }
0x6d: {  	s18 =	simm.s32 $0x80;
	[sflag:s15] =	ssyncadd.s32 $0xFFFFFF80;
	v5 =	vmul.f32 v5, v7;
	v4 =	vmul.f32 v1, v4  }
0x6e: {  	v9 =	vmul.f32 v62, v11;
	v1 =	vld [tilespmem:s18+$0x2060];
	v11 =	vmul.f32 v15, v63  }
0x6f: {  	s19 =	simm.s32 $0x400;
	v10 =	vimm.f32 $0.0e+00;
	v7 =	vmul.f32 v2, v6;
	v2 =	vld [tilespmem:s18+$0x4060];
	v6 =	vmul.f32 v61, v16  }
.LBB2_4:
0x70: {  	p0 =	sne.s32 s19, $0x3E00;
	v12 =	vld [tilespmem:s18+$0x2050];
	v10 =	vadd.f32 v11, v10;
	s20 =	smov.u32 s19;
	s19 =	sadd.s32 $0x200, s19  }
0x71: {  	v11 =	vld [tilespmem:s18+$0x4050]  }
0x72: {  	v13 =	vld [tilespmem:s18+$0x2040];
	v9 =	vadd.f32 v9, v10  }
0x73: {  	v10 =	vld [tilespmem:s18+$0x4040]  }
0x74: {  	v14 =	vld [tilespmem:s18+$0x2030];
	v8 =	vadd.f32 v8, v9  }
0x75: {  	v9 =	vld [tilespmem:s18+$0x4030]  }
0x76: {  	v15 =	vld [tilespmem:s18+$0x2020];
	v3 =	vadd.f32 v3, v8  }
0x77: {  	v8 =	vld [tilespmem:s18+$0x4020]  }
0x78: {  	v16 =	vld [tilespmem:s18+$0x2070];
	v5 =	vadd.f32 v5, v3  }
0x79: {  	v17 =	vld [tilespmem:s18+$0x4010]  }
0x7a: {  	v18 =	vld [tilespmem:s18+$0x2010];
	v3 =	vmul.f32 v14, v9;
	v4 =	vadd.f32 v4, v5  }
0x7b: {  	v14 =	vld [tilespmem:s18+$0x4000]  }
0x7c: {  	v19 =	vld [tilespmem:s18+$0x2000];
	v8 =	vmul.f32 v15, v8;
	v7 =	vadd.f32 v7, v4  }
0x7d: {  	v5 =	vmul.f32 v13, v10;
	v13 =	vld [tilespmem:s18+$0x4070]  }
.Ltmp1:
0x7e: {  	v4 =	vmul.f32 v12, v11;
	_ =	swait.ge [sflag:s15], $0x80;
	v10 =	vadd.f32 v6, v7;
	(pc) =	sbr.rel @p0 .LBB2_4-.Ltmp1, $4  }
0x7f: {  	[sflag:s15] =	ssyncset.done $0x0;
	v9 =	vmul.f32 v18, v17  }
0x80: {  	s18 =	sshra.s32 s20, $0x2;
	[sflag:s15] =	ssyncadd.s32 $0xFFFFFF80  }
0x81: {  	v7 =	vmul.f32 v1, v2;
	v11 =	vmul.f32 v19, v14;
	v1 =	vld [tilespmem:s18+$0x2060]  }
0x82: {  	v2 =	vld [tilespmem:s18+$0x4060];
	v6 =	vmul.f32 v16, v13  }
0x83: {  	v10 =	vadd.f32 v11, v10;
	_ =	sdelay $0x1  }
0x84: {  	v9 =	vadd.f32 v9, v10;
	_ =	sdelay $0x1  }
0x85: {  	v8 =	vadd.f32 v8, v9;
	_ =	sdelay $0x1  }
0x86: {  	v3 =	vadd.f32 v3, v8;
	_ =	sdelay $0x1  }
0x87: {  	v50 =	vld [tilespmem:s18+$0x4000];
	v3 =	vadd.f32 v5, v3  }
0x88: {  	v51 =	vld [tilespmem:s18+$0x2000]  }
0x89: {  	v52 =	vld [tilespmem:s18+$0x4010];
	v3 =	vadd.f32 v4, v3  }
0x8a: {  	v53 =	vld [tilespmem:s18+$0x2010]  }
0x8b: {  	v54 =	vld [tilespmem:s18+$0x2020];
	v3 =	vadd.f32 v7, v3  }
0x8c: {  	v55 =	vld [tilespmem:s18+$0x4020]  }
0x8d: {  	v56 =	vld [tilespmem:s18+$0x2030];
	v5 =	vmul.f32 v51, v50;
	v3 =	vadd.f32 v6, v3  }
0x8e: {  	v57 =	vld [tilespmem:s18+$0x4030]  }
0x8f: {  	v58 =	vld [tilespmem:s18+$0x2040];
	v4 =	vmul.f32 v53, v52;
	v3 =	vadd.f32 v5, v3  }
0x90: {  	v59 =	vld [tilespmem:s18+$0x4040]  }
0x91: {  	v60 =	vld [tilespmem:s18+$0x2050];
	v7 =	vmul.f32 v54, v55;
	v3 =	vadd.f32 v4, v3  }
0x92: {  	v61 =	vld [tilespmem:s18+$0x4050]  }
0x93: {  	v6 =	vmul.f32 v56, v57;
	v3 =	vadd.f32 v7, v3;
	_ =	sdelay $0x1  }
0x94: {  	v62 =	vld [tilespmem:s18+$0x2070];
	v5 =	vmul.f32 v58, v59;
	v3 =	vadd.f32 v6, v3  }
0x95: {  	v63 =	vld [tilespmem:s18+$0x4070]  }
0x96: {  	v4 =	vmul.f32 v60, v61;
	v3 =	vadd.f32 v5, v3;
	_ =	sdelay $0x1  }
0x97: {  	v1 =	vmul.f32 v1, v2;
	v2 =	vadd.f32 v4, v3;
	_ =	sdelay $0x1  }
0x98: {  	v3 =	vmul.f32 v62, v63;
	v1 =	vadd.f32 v1, v2;
	_ =	sdelay $0x1  }
0x99: {  	s17 =	sadd.s32 $0x1, s17;
	v1 =	vadd.f32 v3, v1  }
0x9a: {  	p0 =	sne.s32 s17, s8  }
.Ltmp2:
0x9b: {  	[tilespmem:$0x5000] =	vst v1;
	(pc) =	sbr.rel @p0 .LBB2_1-.Ltmp2, $4  }
0x9c: {  	[hbm4b:s7+s2] =	stream.linear.scatter [tilespmem:s16], [sflag:$0x2], $0x80, $0x38;
	[tilespmem:$0x5080] =	vst v63  }
0x9d: {  	_ =	swait.ge [sflag:s11], $0x80  }
0x9e: {  	[sflag:s11] =	ssyncset.done $0x0  }
0x9f: {  	[sflag:s11] =	ssyncadd.s32 $0xFFFFFF80  }
0xa0: {  	_ =	sfence.sel $0x180000  }
0xa1: {  	[bflag:$0x0] =	sbarrier.arrive $0xFFFF  }
0xa2: {  	p0 =	sne.s32 s1, $0x0;
	_ =	strace $0x9000004A  }
0xa3: {  	s0 =	sadd.s32 @!p0 $0x100000, s0;
	[bflag:$0x2] =	sbarrier.arrive $0xFFFF  }
0xa4: {  	[sflag:s0] =	ssyncadd.tile.s32 @!p0 $0x1;
	_ =	shalt  }
.Lfunc_end2:
_tile_overlayer_lowered:
.L_overlay_start_2:
0xa5: {  	(tag) =	ssettag $0x2  }
0xa6: {  	s0 =	rddreg [dreg:$0x0];
	s2 =	stileid.u32  }
0xa7: {  	s1 =	rddreg [dreg:$0x1];
	p0 =	sne.s32 s2, $0x0  }
0xa8: {  	s3 =	rddreg [dreg:$0x2];
	[bflag:$0x3] =	sbarrier.arrive $0xFFFF;
	s2 =	simm.s32 @!p0 $0x1C02  }
0xa9: {  	[timem:s3], [sflag:s2] =	dma.local @!p0 [hbm:s0], s1  }
0xaa: {  	s0 =	simm.s32 @!p0 $0x2  }
0xab: {  	_ =	swait.ge @!p0 [sflag:s0], s1  }
0xac: {  	s1 =	ssub.s32 @!p0 $0x0, s1;
	[sflag:s0] =	ssyncset.done @!p0 $0x0  }
0xad: {  	[sflag:s0] =	ssyncadd.s32 @!p0 s1  }
0xae: {  	[bflag:$0x3] =	sbarrier.arrive $0xFFFF  }
0xaf: {  	_ =	shalt  }

// kernel: kernel.9.cloned.1.call-start
scs
__scs_entry_jumppad:
0x0: {  	(pc) =	sbr.rel $0x88, $3  }
0x1: {  	(tag) =	ssettag $0x0;
	lr =	simm.s32 $0x1  }
0x2: {  	[smem:$0x3F9D] =	sst lr;
	_ =	strace $0xD0000000  }
0x3: {  	_ = 	snop  }
0x4: {  	_ = 	snop  }
0x5: {  	_ = 	snop  }
0x6: {  	_ = 	snop  }
0x7: {  	_ = 	snop  }
__scs_overlays_trampoline_lowered:
0x8: {  	[smem:$0x3FAC] =	sst s0  }
0x9: {  	[smem:$0x3FAD] =	sst s1  }
0xa: {  	[smem:$0x3FAE] =	sst s2  }
0xb: {  	[smem:$0x3FAF] =	sst s3  }
0xc: {  	[smem:$0x3FB0] =	sst s4  }
0xd: {  	[smem:$0x3FB1] =	sst s5  }
0xe: {  	[smem:$0x3FB2] =	sst s6  }
0xf: {  	[smem:$0x3FB3] =	sst s7  }
0x10: {  	[smem:$0x3FB4] =	sst s8  }
0x11: {  	[smem:$0x3FB5] =	sst s9;
	s0 =	simm.s32 @!p0 $0x0  }
0x12: {  	s1 =	sld [smem:$0x3F9B];
	s0 =	simm.s32 @p0 $0x1  }
0x13: {  	[smem:$0x3FB6] =	sst s0;
	s0 =	simm.s32 @!p1 $0x0  }
0x14: {  	s2 =	sld [smem:$0x3F9A];
	s0 =	simm.s32 @p1 $0x1  }
0x15: {  	[smem:$0x3FB7] =	sst s0;
	s0 =	simm.s32 @!p2 $0x0  }
0x16: {  	s3 =	sld [smem:$0x3FDB];
	s0 =	simm.s32 @p2 $0x1  }
0x17: {  	s4 =	simm.s32 $0x1BF5;
	[smem:$0x3FB9] =	sst s0  }
0x18: {  	s0 =	sld [smem:$0x3F9C];
	_ =	swait.ge [sflag:s4], $0x0  }
0x19: {  	s7 =	sld [smem:$0x3F9D]  }
0x1a: {  	s8 =	sadd.s32 $0xFFFFE003, lr  }
0x1b: {  	s9 =	sadd.s32 $0xFFFFFEF7, lr;
	s5 =	simm.s32 $0xFFFFFFFF;
	p2 =	slt.u32 s8, $0xFFFFF086  }
0x1c: {  	p1 =	slt.u32 s9, $0xF7A;
	s5 =	simm.s32 @!p2 $0x0  }
0x1d: {  	s5 =	simm.s32 @p1 $0x1;
	p0 =	seq.s32 s7, s2  }
0x1e: {  	s7 =	smul.u32 @!p0 $0xF7A, s2;
	p2 =	seq.s32 @!p0 s5, $0x0  }
0x1f: {  	s9 =	smul.u32 $0xF7A, s1;
	s8 =	simm.s32 @!p0 $0x1BF5;
	p2 =	por !p2, p0  }
0x20: {  	[sflag:s8] =	ssyncset.s32 @!p0 $0xFFFFF086;
	s6 =	sadd.s32 @!p0 s3, s7;
	s7 =	simm.s32 @!p0 $0x108  }
0x21: {  	s3 =	sadd.s32 s3, s9;
	s6 =	sadd.s32 @!p0 $0x88, s6;
	s7 =	simm.s32 @p2 $0x1082  }
0x22: {  	[simem:s7], [sflag:s8] =	dma.local @!p0 [hbm:s6], $0xF7A  }
0x23: {  	s9 =	sor.u32 $0xD0000000, s2;
	s6 =	simm.s32 $0x108;
	_ =	swait.ge @!p0 [sflag:s8], $0x0  }
0x24: {  	s3 =	sadd.s32 $0x88, s3;
	s6 =	simm.s32 @!p1 $0x1082;
	[sflag:s4] =	ssyncset.s32 $0xFFFFF086  }
0x25: {  	[simem:s6], [sflag:s4] =	dma.local [hbm:s3], $0xF7A  }
0x26: {  	[smem:$0x3F9D] =	sst s1;
	(tag) =	ssettag s2;
	_ =	strace s9  }
0x27: {  	s1 =	sld [smem:$0x3FAD]  }
0x28: {  	s2 =	sld [smem:$0x3FAE]  }
0x29: {  	s4 =	sld [smem:$0x3FB0]  }
0x2a: {  	p0 =	seq.s32 s5, $0x0;
	s5 =	sld [smem:$0x3FB1]  }
0x2b: {  	s6 =	sld [smem:$0x3FB2]  }
0x2c: {  	s7 =	sld [smem:$0x3FB3]  }
0x2d: {  	s3 =	simm.s32 $0x108;
	s8 =	sld [smem:$0x3FB4]  }
0x2e: {  	s3 =	simm.s32 @!p0 $0x1082;
	s9 =	sld [smem:$0x3FB5]  }
0x2f: {  	lr =	sadd.s32 s0, s3;
	s0 =	sld [smem:$0x3FAC]  }
0x30: {  	s3 =	sld [smem:$0x3FAF]  }
0x31: {  	[smem:$0x3FB8] =	sst s10  }
0x32: {  	s10 =	sld [smem:$0x3FB6];
	_ =	sdelay $0x3  }
0x33: {  	p0 =	seq.s32 s10, $0x1;
	s10 =	sld [smem:$0x3FB8];
	_ =	sdelay $0x3  }
0x34: {  	[smem:$0x3FB8] =	sst s10  }
0x35: {  	s10 =	sld [smem:$0x3FB7];
	_ =	sdelay $0x3  }
0x36: {  	p1 =	seq.s32 s10, $0x1;
	s10 =	sld [smem:$0x3FB8];
	_ =	sdelay $0x3  }
0x37: {  	[smem:$0x3FB8] =	sst s10  }
0x38: {  	s10 =	sld [smem:$0x3FB9]  }
0x39: {  	_ = 	snop;
	(pc) =	sbr.ind lr, $3  }
0x3a: {  	_ = 	snop  }
0x3b: {  	_ = 	snop  }
0x3c: {  	p2 =	seq.s32 s10, $0x1;
	s10 =	sld [smem:$0x3FB8]  }
0x3d: {  	_ =	shalt  }
0x3e: {  	_ =	shalt  }
0x3f: {  	_ =	shalt  }
0x40: {  	_ =	shalt  }
0x41: {  	_ =	shalt  }
0x42: {  	_ =	shalt  }
0x43: {  	_ =	shalt  }
0x44: {  	_ =	shalt  }
0x45: {  	_ =	shalt  }
0x46: {  	_ =	shalt  }
0x47: {  	_ =	shalt  }
0x48: {  	_ =	shalt  }
0x49: {  	_ =	shalt  }
0x4a: {  	_ =	shalt  }
0x4b: {  	_ =	shalt  }
0x4c: {  	_ =	shalt  }
0x4d: {  	_ =	shalt  }
0x4e: {  	_ =	shalt  }
0x4f: {  	_ =	shalt  }
0x50: {  	_ =	shalt  }
0x51: {  	_ =	shalt  }
0x52: {  	_ =	shalt  }
0x53: {  	_ =	shalt  }
0x54: {  	_ =	shalt  }
0x55: {  	_ =	shalt  }
0x56: {  	_ =	shalt  }
0x57: {  	_ =	shalt  }
0x58: {  	_ =	shalt  }
0x59: {  	_ =	shalt  }
0x5a: {  	_ =	shalt  }
0x5b: {  	_ =	shalt  }
0x5c: {  	_ =	shalt  }
0x5d: {  	_ =	shalt  }
0x5e: {  	_ =	shalt  }
0x5f: {  	_ =	shalt  }
0x60: {  	_ =	shalt  }
0x61: {  	_ =	shalt  }
0x62: {  	_ =	shalt  }
0x63: {  	_ =	shalt  }
0x64: {  	_ =	shalt  }
0x65: {  	_ =	shalt  }
0x66: {  	_ =	shalt  }
0x67: {  	_ =	shalt  }
0x68: {  	_ =	shalt  }
0x69: {  	_ =	shalt  }
0x6a: {  	_ =	shalt  }
0x6b: {  	_ =	shalt  }
0x6c: {  	_ =	shalt  }
0x6d: {  	_ =	shalt  }
0x6e: {  	_ =	shalt  }
0x6f: {  	_ =	shalt  }
0x70: {  	_ =	shalt  }
0x71: {  	_ =	shalt  }
0x72: {  	_ =	shalt  }
0x73: {  	_ =	shalt  }
0x74: {  	_ =	shalt  }
0x75: {  	_ =	shalt  }
0x76: {  	_ =	shalt  }
0x77: {  	_ =	shalt  }
0x78: {  	_ =	shalt  }
0x79: {  	_ =	shalt  }
0x7a: {  	_ =	shalt  }
0x7b: {  	_ =	shalt  }
0x7c: {  	_ =	shalt  }
0x7d: {  	_ =	shalt  }
0x7e: {  	_ =	shalt  }
0x7f: {  	_ =	shalt  }
0x80: {  	_ =	shalt  }
0x81: {  	_ =	shalt  }
0x82: {  	_ =	shalt  }
0x83: {  	_ =	shalt  }
0x84: {  	_ =	shalt  }
0x85: {  	_ =	shalt  }
0x86: {  	_ =	shalt  }
0x87: {  	_ =	shalt  }
.Lfunc_end0:
.L_simem_size_0:
called_computation.1_lowered:
.L_overlay_start_0:
0x88: {  	s2 =	sld [smem:$0x3FD9]  }
0x89: {  	s3 =	sld [smem:$0x3FFE];
	_ =	sdelay $0x1  }
0x8a: {  	s1 =	srdreg.scid  }
0x8b: {  	s0 =	sand.u32 $0x1, s1  }
0x8c: {  	s17 =	sshll.u32 s0, $0xA;
	s2 =	sadd.s32 s3, s2  }
0x8d: {  	s2 =	sadd.s32 s2, s17  }
0x8e: {  	[smem:$0x3FC4] =	sst s2  }
0x8f: {  	_ = 	snop  }
0x90: {  	s2 =	sld [smem:$0x3FC8]  }
0x91: {  	s18 =	sld [smem:$0x3FC6];
	(tm) =	ssettm $0x1  }
0x92: {  	s4 =	sld [smem:$0x3FFB];
	_ =	sdelay $0x3  }
0x93: {  	_ =	strace s4  }
0x94: {  	s4 =	sld [smem:$0x3FFC];
	_ =	sdelay $0x3  }
0x95: {  	_ =	strace s4  }
0x96: {  	s4 =	sld [smem:$0x3FFD];
	_ =	sdelay $0x3  }
0x97: {  	_ =	strace s4  }
0x98: {  	_ =	strace $0x8FFFFFFF  }
0x99: {  	s19 =	sld [smem:$0x3FDB];
	_ =	sdelay $0x1  }
0x9a: {  	s5 =	simm.s32 $_scs_section_size  }
0x9b: {  	s6 =	simm.s32 $_size__tile_overlayer_lowered;
	s7 =	simm.s32 $_tile_overlayer_lowered  }
0x9c: {  	s22 =	simm.s32 $0x1BFF;
	s21 =	sshll.u32 s7, $0x1;
	s4 =	sadd.s32 s5, s19  }
0x9d: {  	s8 =	simm.s32 $0x0;
	s20 =	sshll.u32 s6, $0x1;
	s6 =	sadd.s32 s21, s4  }
0x9e: {  	[timem:s8], [sflag:s22] =	dma.local [hbm:s6], s20  }
0x9f: {  	_ =	swait.ge [sflag:s22], s20  }
0xa0: {  	s5 =	ssub.s32 $0x0, s20;
	[sflag:s22] =	ssyncset.done $0x0  }
0xa1: {  	[sflag:s22] =	ssyncadd.s32 s5;
	_ =	sdelay $0x1  }
0xa2: {  	s23 =	simm.s32 $0x1B8B  }
0xa3: {  	_ =	swait.ge [sflag:s23], $0x1  }
0xa4: {  	[sflag:s23] =	ssyncset.done $0x0  }
0xa5: {  	s25 =	simm.s32 $0x1B8E;
	s24 =	sld [smem:$0x3FFE];
	[sflag:s23] =	ssyncadd.s32 $0xFFFFFFFF  }
0xa6: {  	s26 =	simm.s32 $execute0_lowered;
	[smem:$0x3FD2] =	sst s25  }
0xa7: {  	s6 =	sshll.u32 s26, $0x1;
	_ =	strace $0x80000046;
	[dreg:$0x1] =	wrdreg $0xFFFFFFFF  }
0xa8: {  	s28 =	simm.s32 $_size_execute0_lowered;
	s4 =	sadd.s32 s4, s6;
	[dreg:$0x0] =	wrdreg $0x0  }
0xa9: {  	s6 =	sshll.u32 s28, $0x1;
	[dreg:$0x2] =	wrdreg s4  }
0xaa: {  	[dreg:$0x3] =	wrdreg s6  }
0xab: {  	[dreg:$0x4] =	wrdreg $0xC0  }
0xac: {  	_ =	task [dreg:s8], $0x5FFFF  }
0xad: {  	[dreg:$0x1] =	wrdreg $0xFFFFFFFF  }
0xae: {  	[dreg:$0x0] =	wrdreg $0x60  }
0xaf: {  	[dreg:$0x2] =	wrdreg s2  }
0xb0: {  	[dreg:$0x3] =	wrdreg s18  }
0xb1: {  	[dreg:$0x4] =	wrdreg s24  }
0xb2: {  	[dreg:$0x5] =	wrdreg $0xA  }
0xb3: {  	_ =	task.clear_ibuf [dreg:s8], $0x6FFFF;
	_ =	strace $0x90000046  }
0xb4: {  	s29 =	simm.s32 $0xA;
	_ =	strace $0x80000048  }
0xb5: {  	_ =	swait.ge [sflag:s29], $0x1  }
0xb6: {  	[sflag:s29] =	ssyncadd.s32 $0xFFFFFFFF  }
0xb7: {  	_ =	strace $0x90000048  }
0xb8: {  	_ =	sfence  }
0xb9: {  	s30 =	sld [smem:$0x0];
	_ =	sdelay $0x2  }
0xba: {  	s31 =	sshll.u32 s1, $0xD;
	s1 =	sshrl.u32 s1, $0x2  }
0xbb: {  	s3 =	sand.u32 $0x4000, s31;
	s1 =	sadd.s32 s1, s30  }
0xbc: {  	s0 =	sor.u32 s3, s0;
	s1 =	sshll.u32 s1, $0x11  }
0xbd: {  	s0 =	sor.u32 s1, s0  }
0xbe: {  	s0 =	sadd.s32 $0x8F2B, s0  }
0xbf: {  	[sflag:s0] =	ssyncadd.remote.s32 $0x1  }
0xc0: {  	_ =	sfence.sel $0xFFFF  }
0xc1: {  	[dreg:$0x0] =	wrdreg $0xFFFFFFFF;
	(pc) =	sbr.abs _section_cstart, $3  }
0xc2: {  	[dreg:$0x1] =	wrdreg $0xFFFFFFFF  }
0xc3: {  	_ =	task.clear_ibuf [dreg:s8], $0x2FFFF;
	_ =	strace $0x9FFFFFFF  }
0xc4: {  	(tm) =	ssettm $0x7FFFFFFF  }
0xc5: {  	_ =	shalt  }
tec
execute0_lowered:
.L_overlay_start_1:
0x0: {  	(tag) =	ssettag $0x1  }
0x1: {  	s4 =	rddreg [dreg:$0x0]  }
0x2: {  	s5 =	rddreg [dreg:$0x1];
	s1 =	srdreg.scid  }
0x3: {  	s0 =	stileid.u32;
	s2 =	rddreg [dreg:$0x2];
	s3 =	simm.s32 $0x0  }
0x4: {  	s14 =	simm.s32 $0x2000;
	s16 =	simm.s32 $0x5000;
	s17 =	simm.s32 $0x0  }
0x5: {  	s6 =	sand.u32 $0x1, s1;
	s7 =	sshll.u32 s0, $0x1;
	s1 =	rddreg [dreg:$0x3]  }
0x6: {  	[smem:$0x7FF] =	sst s3;
	s10 =	sshrl.u32 s0, $0x1;
	s7 =	sor.u32 s6, s7  }
0x7: {  	_ =	strace $0x80000047;
	s6 =	ssub.s32 $0x2, s6;
	s11 =	sshll.u32 s10, $0xC  }
0x8: {  	s13 =	sshll.u32 s10, $0x4;
	s15 =	sshll.u32 s10, $0x14;
	s10 =	simm.s32 $0x100  }
0x9: {  	s8 =	sshll.u32 s7, $0x4;
	s9 =	sshrl.u32 s6, $0x1;
	s7 =	sand.u32 $0x3, s7  }
0xa: {  	s5 =	sadd.s32 s13, s5;
	s13 =	simm.s32 $0x400;
	v0 =	vmov s15;
	s15 =	simm.s32 $0x1  }
0xb: {  	s8 =	sadd.s32 s8, s2;
	s12 =	sshll.u32 s7, $0xA;
	s7 =	sshll.u32 s7, $0xC  }
0xc: {  	s9 =	ssub.s32 s6, s9;
	s11 =	sor.u32 s11, s12;
	s7 =	sadd.s32 s7, s5  }
0xd: {  	s12 =	simm.s32 $0x1000;
	s31 =	sadd.s32 s11, s4;
	s6 =	sadd.s32 $0x4000, s7  }
0xe: {  	s7 =	sadd.s32 $0x100000, s8;
	s8 =	smax.u32 s9, $0x1;
	s9 =	simm.s32 $0x80  }
0xf: {  	s11 =	simm.s32 $0x2;
	s4 =	sadd.s32 $0x8000, s31;
	s5 =	sadd.s32 $0x8010, s31  }
.LBB2_1:
0x10: {  	[tilespmem:s3], [sflag:$0x2] =	stream.strided.gather [hbm4b:s4+s9], $0x1000, s10, s9, $0x38;
	[tilespmem:$0x5080] =	vst v63  }
0x11: {  	_ =	swait.ge [sflag:s11], $0x1000  }
0x12: {  	[sflag:s11] =	ssyncset.done $0x0  }
0x13: {  	[sflag:s11] =	ssyncadd.s32 $0xFFFFF000  }
0x14: {  	[tilespmem:s12], [sflag:$0x2] =	stream.strided.gather [hbm4b:s5+s9], $0x1000, s10, s9, $0x38;
	[tilespmem:$0x5080] =	vst v63  }
0x15: {  	_ =	swait.ge [sflag:s11], $0x1000  }
0x16: {  	[sflag:s11] =	ssyncset.done $0x0  }
0x17: {  	[sflag:s11] =	ssyncadd.s32 $0xFFFFF000  }
0x18: {  	[tilespmem:s14], [sflag:$0x2] =	stream.strided.gather [hbm4b:s6+s9], $0x1000, s13, s9, $0x38;
	[tilespmem:$0x5080] =	vst v63  }
0x19: {  	_ =	swait.ge [sflag:s11], $0x1000  }
0x1a: {  	[sflag:s11] =	ssyncset.done $0x0  }
0x1b: {  	s18 =	simm.s32 $0x0;
	[sflag:s11] =	ssyncadd.s32 $0xFFFFF000  }
0x1c: {  	v1 =	vld [tilespmem:s18+$0x0]  }
0x1d: {  	v2 =	vld [tilespmem:s18+$0x10]  }
0x1e: {  	v3 =	vld [tilespmem:s18+$0x20]  }
0x1f: {  	v4 =	vld [tilespmem:s18+$0x30]  }
0x20: {  	v12 =	vld [tilespmem:s18+$0x1010]  }
0x21: {  	v6 =	vld [tilespmem:s18+$0x40]  }
0x22: {  	v7 =	vld [tilespmem:s18+$0x50]  }
0x23: {  	v8 =	vld [tilespmem:s18+$0x60]  }
0x24: {  	v10 =	vld [tilespmem:s18+$0x1000];
	v1 =	vshll.u32 v1, $0x7  }
0x25: {  	v9 =	vld [tilespmem:s18+$0x70];
	v15 =	vshll.u32 v12, $0xA;
	v11 =	vadd.s32 v0, v1;
	v1 =	vshll.u32 v2, $0x7  }
0x26: {  	v12 =	vand.u32 $0x7F, v12;
	v2 =	vshll.u32 v3, $0x7;
	v13 =	vadd.s32 v0, v1  }
0x27: {  	v14 =	vadd.s32 v0, v2;
	v1 =	vshll.u32 v4, $0x7;
	v2 =	vshll.u32 v7, $0x7  }
0x28: {  	v7 =	vld [tilespmem:s18+$0x1020];
	v5 =	vadd.s32 v0, v1;
	v1 =	vshll.u32 v6, $0x7;
	v3 =	vadd.s32 v0, v2  }
0x29: {  	v6 =	vld [tilespmem:s18+$0x1030];
	v4 =	vadd.s32 v0, v1;
	v1 =	vshll.u32 v8, $0x7;
	v8 =	vshll.u32 v10, $0xA  }
0x2a: {  	v2 =	vadd.s32 v0, v1;
	v1 =	vshll.u32 v9, $0x7;
	v9 =	vand.u32 $0x7F, v10  }
0x2b: {  	v8 =	vand.u32 $0xFFFE0000, v8;
	v1 =	vadd.s32 v0, v1;
	v9 =	vor.u32 v9, v11;
	v11 =	vld [tilespmem:s18+$0x1040]  }
0x2c: {  	v10 =	vadd.s32 v8, v9;
	v8 =	vand.u32 $0xFFFE0000, v15;
	v9 =	vor.u32 v12, v13  }
0x2d: {  	v12 =	vshll.u32 v7, $0xA;
	v7 =	vand.u32 $0x7F, v7;
	v8 =	vadd.s32 v8, v9;
	v9 =	vld [tilespmem:s18+$0x1050]  }
0x2e: {  	s19 =	simm.s32 $0x200;
	v12 =	vand.u32 $0xFFFE0000, v12;
	v13 =	vor.u32 v7, v14;
	v14 =	vshll.u32 v6, $0xA;
	v7 =	vld [tilespmem:s18+$0x1060]  }
.LBB2_2:
0x2f: {  	p0 =	sne.s32 s19, $0x3E00;
	v12 =	vadd.s32 v12, v13;
	v13 =	vand.u32 $0xFFFE0000, v14;
	v6 =	vand.u32 $0x7F, v6  }
0x30: {  	v5 =	vor.u32 v6, v5;
	v6 =	vshll.u32 v11, $0xA;
	v11 =	vand.u32 $0x7F, v11;
	v14 =	vld [tilespmem:s18+$0x1070]  }
0x31: {  	[tilespmem:s18+$0x3000] =	vst v10;
	v5 =	vadd.s32 v13, v5;
	v6 =	vand.u32 $0xFFFE0000, v6;
	v4 =	vor.u32 v11, v4  }
0x32: {  	[tilespmem:s18+$0x3010] =	vst v8;
	v4 =	vadd.s32 v6, v4;
	v6 =	vshll.u32 v9, $0xA;
	v8 =	vand.u32 $0x7F, v9  }
0x33: {  	[tilespmem:s18+$0x3020] =	vst v12;
	v6 =	vand.u32 $0xFFFE0000, v6;
	v3 =	vor.u32 v8, v3;
	v8 =	vshll.u32 v7, $0xA  }
0x34: {  	[tilespmem:s18+$0x3030] =	vst v5;
	v3 =	vadd.s32 v6, v3;
	v5 =	vand.u32 $0xFFFE0000, v8;
	v6 =	vand.u32 $0x7F, v7  }
0x35: {  	[tilespmem:s18+$0x3040] =	vst v4;
	v2 =	vor.u32 v6, v2;
	v4 =	vshll.u32 v14, $0xA;
	v6 =	vand.u32 $0x7F, v14  }
0x36: {  	[tilespmem:s18+$0x3050] =	vst v3;
	v2 =	vadd.s32 v5, v2;
	v3 =	vand.u32 $0xFFFE0000, v4;
	v1 =	vor.u32 v6, v1  }
0x37: {  	s20 =	sshra.s32 s19, $0x2;
	s21 =	sadd.s32 $0x3000, s18;
	s22 =	sadd.s32 $0x4000, s18;
	[tilespmem:s18+$0x3060] =	vst v2;
	v1 =	vadd.s32 v3, v1  }
0x38: {  	[tilespmem:s18+$0x3070] =	vst v1;
	[tilespmem:s22], [sflag:$0x1] =	stream.indirect.gather [hbm4b:s2+s9], $0x1, s21, s9, $0xb8  }
0x39: {  	s18 =	smov.u32 s20;
	v1 =	vld [tilespmem:s20+$0x0]  }
0x3a: {  	v2 =	vld [tilespmem:s18+$0x10]  }
0x3b: {  	v3 =	vld [tilespmem:s18+$0x20]  }
0x3c: {  	v4 =	vld [tilespmem:s18+$0x30]  }
0x3d: {  	v6 =	vld [tilespmem:s18+$0x40]  }
0x3e: {  	v7 =	vld [tilespmem:s18+$0x50]  }
0x3f: {  	v8 =	vld [tilespmem:s18+$0x60]  }
0x40: {  	v9 =	vld [tilespmem:s18+$0x70]  }
0x41: {  	v1 =	vshll.u32 v1, $0x7;
	v10 =	vld [tilespmem:s18+$0x1000]  }
0x42: {  	v11 =	vadd.s32 v0, v1;
	v1 =	vshll.u32 v2, $0x7;
	v2 =	vshll.u32 v3, $0x7  }
0x43: {  	v13 =	vadd.s32 v0, v1;
	v14 =	vadd.s32 v0, v2;
	v1 =	vshll.u32 v4, $0x7;
	v12 =	vld [tilespmem:s18+$0x1010]  }
0x44: {  	v5 =	vadd.s32 v0, v1;
	v1 =	vshll.u32 v6, $0x7;
	v2 =	vshll.u32 v7, $0x7  }
0x45: {  	v4 =	vadd.s32 v0, v1;
	v3 =	vadd.s32 v0, v2;
	v1 =	vshll.u32 v8, $0x7;
	v7 =	vld [tilespmem:s18+$0x1020]  }
0x46: {  	v2 =	vadd.s32 v0, v1;
	v1 =	vshll.u32 v9, $0x7;
	v8 =	vshll.u32 v10, $0xA;
	v6 =	vld [tilespmem:s18+$0x1030]  }
.Ltmp0:
0x47: {  	v9 =	vand.u32 $0x7F, v10;
	v1 =	vadd.s32 v0, v1;
	v8 =	vand.u32 $0xFFFE0000, v8;
	(pc) =	sbr.rel @p0 .LBB2_2-.Ltmp0, $4  }
0x48: {  	v9 =	vor.u32 v9, v11;
	v15 =	vshll.u32 v12, $0xA;
	v12 =	vand.u32 $0x7F, v12;
	v11 =	vld [tilespmem:s18+$0x1040]  }
0x49: {  	v10 =	vadd.s32 v8, v9;
	v8 =	vand.u32 $0xFFFE0000, v15;
	v9 =	vor.u32 v12, v13  }
0x4a: {  	v8 =	vadd.s32 v8, v9;
	v12 =	vshll.u32 v7, $0xA;
	v7 =	vand.u32 $0x7F, v7;
	v9 =	vld [tilespmem:s18+$0x1050]  }
0x4b: {  	s19 =	sadd.s32 $0x200, s19;
	v12 =	vand.u32 $0xFFFE0000, v12;
	v13 =	vor.u32 v7, v14;
	v14 =	vshll.u32 v6, $0xA;
	v7 =	vld [tilespmem:s18+$0x1060]  }
0x4c: {  	v12 =	vadd.s32 v12, v13;
	v59 =	vand.u32 $0xFFFE0000, v14;
	v6 =	vand.u32 $0x7F, v6  }
0x4d: {  	v60 =	vld [tilespmem:s18+$0x1070];
	v5 =	vor.u32 v6, v5;
	v6 =	vshll.u32 v11, $0xA;
	v11 =	vand.u32 $0x7F, v11  }
0x4e: {  	[tilespmem:s18+$0x3000] =	vst v10;
	v5 =	vadd.s32 v59, v5;
	v6 =	vand.u32 $0xFFFE0000, v6;
	v4 =	vor.u32 v11, v4  }
0x4f: {  	[tilespmem:s18+$0x3010] =	vst v8;
	v4 =	vadd.s32 v6, v4;
	v6 =	vshll.u32 v9, $0xA;
	v8 =	vand.u32 $0x7F, v9  }
0x50: {  	[tilespmem:s18+$0x3020] =	vst v12;
	v6 =	vand.u32 $0xFFFE0000, v6;
	v3 =	vor.u32 v8, v3;
	v8 =	vshll.u32 v7, $0xA  }
0x51: {  	[tilespmem:s18+$0x3030] =	vst v5;
	v3 =	vadd.s32 v6, v3;
	v5 =	vand.u32 $0xFFFE0000, v8;
	v6 =	vand.u32 $0x7F, v7  }
0x52: {  	[tilespmem:s18+$0x3040] =	vst v4;
	v4 =	vshll.u32 v60, $0xA;
	v2 =	vor.u32 v6, v2;
	v6 =	vand.u32 $0x7F, v60  }
0x53: {  	[tilespmem:s18+$0x3050] =	vst v3;
	v3 =	vand.u32 $0xFFFE0000, v4;
	v2 =	vadd.s32 v5, v2;
	v1 =	vor.u32 v6, v1  }
0x54: {  	[tilespmem:s18+$0x3060] =	vst v2;
	v1 =	vadd.s32 v3, v1  }
0x55: {  	s19 =	sadd.s32 $0x3000, s18;
	s20 =	sadd.s32 $0x4000, s18;
	[tilespmem:s18+$0x3070] =	vst v1  }
0x56: {  	[tilespmem:s20], [sflag:$0x1] =	stream.indirect.gather [hbm4b:s2+s9], $0x1, s19, s9, $0xb8;
	[tilespmem:$0x5080] =	vst v63  }
0x57: {  	_ =	swait.ge [sflag:s15], $0x80  }
0x58: {  	[sflag:s15] =	ssyncset.done $0x0  }
0x59: {  	s31 =	simm.s32 $0x0;
	[sflag:s15] =	ssyncadd.s32 $0xFFFFFF80  }
0x5a: {  	v2 =	vld [tilespmem:s31+$0x2060]  }
0x5b: {  	v6 =	vld [tilespmem:s31+$0x4060]  }
0x5c: {  	v1 =	vld [tilespmem:s31+$0x2050]  }
0x5d: {  	v4 =	vld [tilespmem:s31+$0x4050]  }
0x5e: {  	v5 =	vld [tilespmem:s31+$0x2040]  }
0x5f: {  	v7 =	vld [tilespmem:s31+$0x4040]  }
0x60: {  	v3 =	vld [tilespmem:s31+$0x2030]  }
0x61: {  	v8 =	vld [tilespmem:s31+$0x4030]  }
0x62: {  	v9 =	vld [tilespmem:s31+$0x2020]  }
0x63: {  	v10 =	vld [tilespmem:s31+$0x4020]  }
0x64: {  	v61 =	vld [tilespmem:s31+$0x2070]  }
0x65: {  	v11 =	vld [tilespmem:s31+$0x4010]  }
0x66: {  	v62 =	vld [tilespmem:s31+$0x2010]  }
0x67: {  	v63 =	vld [tilespmem:s31+$0x4000]  }
0x68: {  	v15 =	vld [tilespmem:s31+$0x2000]  }
0x69: {  	v16 =	vld [tilespmem:s31+$0x4070]  }
0x6a: {  	_ =	swait.ge [sflag:s15], $0x80  }
0x6b: {  	[sflag:s15] =	ssyncset.done $0x0;
	v3 =	vmul.f32 v3, v8;
	v8 =	vmul.f32 v9, v10  }
0x6c: {  	s18 =	simm.s32 $0x80;
	[sflag:s15] =	ssyncadd.s32 $0xFFFFFF80;
	v5 =	vmul.f32 v5, v7;
	v4 =	vmul.f32 v1, v4  }
0x6d: {  	v9 =	vmul.f32 v62, v11;
	v1 =	vld [tilespmem:s18+$0x2060];
	v11 =	vmul.f32 v15, v63  }
0x6e: {  	s19 =	simm.s32 $0x400;
	v10 =	vimm.f32 $0.0e+00;
	v7 =	vmul.f32 v2, v6;
	v2 =	vld [tilespmem:s18+$0x4060];
	v6 =	vmul.f32 v61, v16  }
.LBB2_4:
0x6f: {  	p0 =	sne.s32 s19, $0x3E00;
	v12 =	vld [tilespmem:s18+$0x2050];
	v10 =	vadd.f32 v11, v10;
	s20 =	smov.u32 s19;
	s19 =	sadd.s32 $0x200, s19  }
0x70: {  	v11 =	vld [tilespmem:s18+$0x4050]  }
0x71: {  	v13 =	vld [tilespmem:s18+$0x2040];
	v9 =	vadd.f32 v9, v10  }
0x72: {  	v10 =	vld [tilespmem:s18+$0x4040]  }
0x73: {  	v14 =	vld [tilespmem:s18+$0x2030];
	v8 =	vadd.f32 v8, v9  }
0x74: {  	v9 =	vld [tilespmem:s18+$0x4030]  }
0x75: {  	v15 =	vld [tilespmem:s18+$0x2020];
	v3 =	vadd.f32 v3, v8  }
0x76: {  	v8 =	vld [tilespmem:s18+$0x4020]  }
0x77: {  	v16 =	vld [tilespmem:s18+$0x2070];
	v5 =	vadd.f32 v5, v3  }
0x78: {  	v17 =	vld [tilespmem:s18+$0x4010]  }
0x79: {  	v18 =	vld [tilespmem:s18+$0x2010];
	v3 =	vmul.f32 v14, v9;
	v4 =	vadd.f32 v4, v5  }
0x7a: {  	v14 =	vld [tilespmem:s18+$0x4000]  }
0x7b: {  	v19 =	vld [tilespmem:s18+$0x2000];
	v8 =	vmul.f32 v15, v8;
	v7 =	vadd.f32 v7, v4  }
0x7c: {  	v5 =	vmul.f32 v13, v10;
	v13 =	vld [tilespmem:s18+$0x4070]  }
.Ltmp1:
0x7d: {  	v4 =	vmul.f32 v12, v11;
	_ =	swait.ge [sflag:s15], $0x80;
	v10 =	vadd.f32 v6, v7;
	(pc) =	sbr.rel @p0 .LBB2_4-.Ltmp1, $4  }
0x7e: {  	[sflag:s15] =	ssyncset.done $0x0;
	v9 =	vmul.f32 v18, v17  }
0x7f: {  	s18 =	sshra.s32 s20, $0x2;
	[sflag:s15] =	ssyncadd.s32 $0xFFFFFF80  }
0x80: {  	v7 =	vmul.f32 v1, v2;
	v11 =	vmul.f32 v19, v14;
	v1 =	vld [tilespmem:s18+$0x2060]  }
0x81: {  	v2 =	vld [tilespmem:s18+$0x4060];
	v6 =	vmul.f32 v16, v13  }
0x82: {  	v10 =	vadd.f32 v11, v10;
	_ =	sdelay $0x1  }
0x83: {  	v9 =	vadd.f32 v9, v10;
	_ =	sdelay $0x1  }
0x84: {  	v8 =	vadd.f32 v8, v9;
	_ =	sdelay $0x1  }
0x85: {  	v3 =	vadd.f32 v3, v8;
	_ =	sdelay $0x1  }
0x86: {  	v50 =	vld [tilespmem:s18+$0x4000];
	v3 =	vadd.f32 v5, v3  }
0x87: {  	v51 =	vld [tilespmem:s18+$0x2000]  }
0x88: {  	v52 =	vld [tilespmem:s18+$0x4010];
	v3 =	vadd.f32 v4, v3  }
0x89: {  	v53 =	vld [tilespmem:s18+$0x2010]  }
0x8a: {  	v54 =	vld [tilespmem:s18+$0x2020];
	v3 =	vadd.f32 v7, v3  }
0x8b: {  	v55 =	vld [tilespmem:s18+$0x4020]  }
0x8c: {  	v56 =	vld [tilespmem:s18+$0x2030];
	v5 =	vmul.f32 v51, v50;
	v3 =	vadd.f32 v6, v3  }
0x8d: {  	v57 =	vld [tilespmem:s18+$0x4030]  }
0x8e: {  	v58 =	vld [tilespmem:s18+$0x2040];
	v4 =	vmul.f32 v53, v52;
	v3 =	vadd.f32 v5, v3  }
0x8f: {  	v59 =	vld [tilespmem:s18+$0x4040]  }
0x90: {  	v60 =	vld [tilespmem:s18+$0x2050];
	v7 =	vmul.f32 v54, v55;
	v3 =	vadd.f32 v4, v3  }
0x91: {  	v61 =	vld [tilespmem:s18+$0x4050]  }
0x92: {  	v6 =	vmul.f32 v56, v57;
	v3 =	vadd.f32 v7, v3;
	_ =	sdelay $0x1  }
0x93: {  	v62 =	vld [tilespmem:s18+$0x2070];
	v5 =	vmul.f32 v58, v59;
	v3 =	vadd.f32 v6, v3  }
0x94: {  	v63 =	vld [tilespmem:s18+$0x4070]  }
0x95: {  	v4 =	vmul.f32 v60, v61;
	v3 =	vadd.f32 v5, v3;
	_ =	sdelay $0x1  }
0x96: {  	v1 =	vmul.f32 v1, v2;
	v2 =	vadd.f32 v4, v3;
	_ =	sdelay $0x1  }
0x97: {  	v3 =	vmul.f32 v62, v63;
	v1 =	vadd.f32 v1, v2;
	_ =	sdelay $0x1  }
0x98: {  	s17 =	sadd.s32 $0x1, s17;
	v1 =	vadd.f32 v3, v1  }
0x99: {  	p0 =	sne.s32 s17, s8  }
.Ltmp2:
0x9a: {  	[tilespmem:$0x5000] =	vst v1;
	(pc) =	sbr.rel @p0 .LBB2_1-.Ltmp2, $4  }
0x9b: {  	[hbm4b:s7+s3] =	stream.linear.scatter [tilespmem:s16], [sflag:$0x2], $0x80, $0x38;
	[tilespmem:$0x5080] =	vst v63  }
0x9c: {  	_ =	swait.ge [sflag:s11], $0x80  }
0x9d: {  	[sflag:s11] =	ssyncset.done $0x0  }
0x9e: {  	[sflag:s11] =	ssyncadd.s32 $0xFFFFFF80  }
0x9f: {  	_ =	sfence.sel $0x180000  }
0xa0: {  	[bflag:$0x0] =	sbarrier.arrive $0xFFFF  }
0xa1: {  	p0 =	sne.s32 s0, $0x0;
	_ =	strace $0x90000047  }
0xa2: {  	s0 =	sadd.s32 @!p0 $0x100000, s1;
	[bflag:$0x2] =	sbarrier.arrive $0xFFFF  }
0xa3: {  	[sflag:s0] =	ssyncadd.tile.s32 @!p0 $0x1;
	_ =	shalt  }
.Lfunc_end2:
_tile_overlayer_lowered:
.L_overlay_start_2:
0xa4: {  	(tag) =	ssettag $0x2  }
0xa5: {  	s0 =	rddreg [dreg:$0x0];
	s2 =	stileid.u32  }
0xa6: {  	s1 =	rddreg [dreg:$0x1];
	p0 =	sne.s32 s2, $0x0  }
0xa7: {  	s3 =	rddreg [dreg:$0x2];
	[bflag:$0x3] =	sbarrier.arrive $0xFFFF;
	s2 =	simm.s32 @!p0 $0x1C02  }
0xa8: {  	[timem:s3], [sflag:s2] =	dma.local @!p0 [hbm:s0], s1  }
0xa9: {  	s0 =	simm.s32 @!p0 $0x2  }
0xaa: {  	_ =	swait.ge @!p0 [sflag:s0], s1  }
0xab: {  	s1 =	ssub.s32 @!p0 $0x0, s1;
	[sflag:s0] =	ssyncset.done @!p0 $0x0  }
0xac: {  	[sflag:s0] =	ssyncadd.s32 @!p0 s1  }
0xad: {  	[bflag:$0x3] =	sbarrier.arrive $0xFFFF  }
0xae: {  	_ =	shalt  }

</sc_bundles>
